<compile_context>
chip_gen: v7x
topology: tpu7x:2x2x1
jax: 0.10.2.dev20260603
libtpu: 0.0.44.dev20260713+nightly
codegen_flags: <defaults>
</compile_context>

<pallas_src>
import math

import jax
import jax.numpy as jnp
from jax import lax
from jax.experimental import pallas as pl
from jax.experimental.pallas import tpu as pltpu
from jax.experimental.pallas import tpu_sc as plsc

_N = 10000
_D = 128
_LANE = 128
_NC = 2
_NS = 16
_NW = _NC * _NS

_ACC_ROWS = 10112
_APT = _ACC_ROWS // _NS
_CAC = 10240
_CPT = _CAC // _NS


def _make_sc_agg(e_pad, with_cnt):
  iters_per_tile = e_pad // (_NW * _LANE)
  mesh = plsc.VectorSubcoreMesh(core_axis_name="c", subcore_axis_name="s")

  out_type = [jax.ShapeDtypeStruct((_NC * _ACC_ROWS, _D), jnp.float32)]
  scratch = [
      pltpu.VMEM_SHARED((_ACC_ROWS, _D), jnp.float32),
      pltpu.VMEM((_LANE,), jnp.int32),
      pltpu.VMEM((_LANE,), jnp.int32),
      pltpu.VMEM((_LANE, _D), jnp.float32),
      pltpu.SemaphoreType.DMA,
  ]
  if with_cnt:
    out_type.append(jax.ShapeDtypeStruct((_NC * _CAC,), jnp.float32))
    scratch += [
        pltpu.VMEM_SHARED((_CAC,), jnp.float32),
        pltpu.VMEM((_LANE,), jnp.float32),
        pltpu.VMEM((_CPT,), jnp.float32),
    ]

  def body(*refs):
    if with_cnt:
      (table, srcp, dstp, zrow, zcnt,
       out, cntout, acc, srcv, dstv, rows, gsem, cacc, ones_v, cbuf) = refs
    else:
      (table, srcp, dstp, zrow,
       out, acc, srcv, dstv, rows, gsem) = refs
    c = lax.axis_index("c")
    s = lax.axis_index("s")
    r0 = s * _APT
    pltpu.sync_copy(zrow, acc.at[pl.ds(r0, _APT)])
    if with_cnt:
      c0 = s * _CPT
      for j in range(_LANE // 16):
        ones_v[pl.ds(j * 16, 16)] = jnp.ones((16,), jnp.float32)
      pltpu.sync_copy(zcnt, cbuf)
      pltpu.sync_copy(cbuf, cacc.at[pl.ds(c0, _CPT)])
    plsc.subcore_barrier()

    base = (c * _NS + s) * iters_per_tile * _LANE

    def step(i, carry):
      off = base + i * _LANE
      pltpu.sync_copy(srcp.at[pl.ds(off, _LANE)], srcv)
      pltpu.sync_copy(dstp.at[pl.ds(off, _LANE)], dstv)
      pltpu.async_copy(table.at[srcv], rows, gsem).wait()
      pltpu.sync_copy(rows, acc.at[dstv], add=True)
      if with_cnt:
        pltpu.sync_copy(ones_v, cacc.at[dstv], add=True)
      return carry

    lax.fori_loop(0, iters_per_tile, step, 0)
    plsc.subcore_barrier()
    pltpu.sync_copy(acc.at[pl.ds(r0, _APT)], out.at[pl.ds(c * _ACC_ROWS + r0, _APT)])
    if with_cnt:
      pltpu.sync_copy(cacc.at[pl.ds(c0, _CPT)], cbuf)
      pltpu.sync_copy(cbuf, cntout.at[pl.ds(c * _CAC + c0, _CPT)])
    plsc.subcore_barrier()

  return pl.kernel(body, out_type=out_type, mesh=mesh, scratch_types=scratch)


def _dot_t(a, w):
  return lax.dot_general(a, w, (((1,), (1,)), ((), ())),
                         precision=lax.Precision.HIGHEST,
                         preferred_element_type=jnp.float32)


_R = 2000


def _row_spec(shape3=None, shape2=None):
  if shape3 is not None:
    return pl.BlockSpec((2, _R) + shape3, lambda i: (0, i, 0))
  return pl.BlockSpec((_R,) + shape2, lambda i: (i, 0))


def _full_spec(shape):
  nd = len(shape)
  return pl.BlockSpec(shape, lambda i, _n=nd: (0,) * _n)


def _tc_layer1(sum2, cnt2, x, W1l, b1, W1r):
  def body(s_ref, c_ref, x_ref, wl_ref, b_ref, wr_ref, h_ref):
    cnt = jnp.maximum(c_ref[0] + c_ref[1], 1.0)
    mean = (s_ref[0] + s_ref[1]) / cnt
    h = _dot_t(mean, wl_ref[...]) + b_ref[...] + _dot_t(x_ref[...], wr_ref[...])
    h_ref[...] = jnp.maximum(h, 0.0)

  return pl.pallas_call(
      body,
      grid=(_N // _R,),
      in_specs=[_row_spec(shape3=(_D,)), _row_spec(shape3=(1,)),
                _row_spec(shape2=(_D,)), _full_spec((_D, _D)),
                _full_spec((1, _D)), _full_spec((_D, _D))],
      out_specs=_row_spec(shape2=(_D,)),
      out_shape=jax.ShapeDtypeStruct((_N, _D), jnp.float32),
  )(sum2, cnt2, x, W1l, b1, W1r)


def _tc_layer23(sum2, cnt2, h, Wmul, bmu, Wmur, Wlsl, bls, Wlsr):
  def body(s_ref, c_ref, h_ref, wmul_ref, bmu_ref, wmur_ref,
           wlsl_ref, bls_ref, wlsr_ref, mu_ref, ls_ref):
    cnt = jnp.maximum(c_ref[0] + c_ref[1], 1.0)
    mean = (s_ref[0] + s_ref[1]) / cnt
    hh = h_ref[...]
    mu_ref[...] = _dot_t(mean, wmul_ref[...]) + bmu_ref[...] + _dot_t(hh, wmur_ref[...])
    ls_ref[...] = _dot_t(mean, wlsl_ref[...]) + bls_ref[...] + _dot_t(hh, wlsr_ref[...])

  return pl.pallas_call(
      body,
      grid=(_N // _R,),
      in_specs=[_row_spec(shape3=(_D,)), _row_spec(shape3=(1,)),
                _row_spec(shape2=(_D,)),
                _full_spec((64, _D)), _full_spec((1, 64)), _full_spec((64, _D)),
                _full_spec((64, _D)), _full_spec((1, 64)), _full_spec((64, _D))],
      out_specs=[_row_spec(shape2=(64,)), _row_spec(shape2=(64,))],
      out_shape=[jax.ShapeDtypeStruct((_N, 64), jnp.float32),
                 jax.ShapeDtypeStruct((_N, 64), jnp.float32)],
  )(sum2, cnt2, h, Wmul, bmu, Wmur, Wlsl, bls, Wlsr)


def kernel(x, edge_index, W1l, b1, W1r, Wmul, bmu, Wmur, Wlsl, bls, Wlsr):
  e = edge_index.shape[1]
  e_pad = math.ceil(e / (_LANE * _NW)) * _LANE * _NW
  pad = e_pad - e
  src = jnp.concatenate([edge_index[0], jnp.zeros((pad,), jnp.int32)])
  dst = jnp.concatenate([edge_index[1], jnp.full((pad,), _N, jnp.int32)])
  zrow = jnp.zeros((_APT, _D), jnp.float32)
  zcnt = jnp.zeros((_CPT,), jnp.float32)

  agg_cnt = _make_sc_agg(e_pad, with_cnt=True)
  agg = _make_sc_agg(e_pad, with_cnt=False)

  sum_flat, cnt_flat = agg_cnt(x, src, dst, zrow, zcnt)
  sum2 = sum_flat.reshape(_NC, _ACC_ROWS, _D)[:, :_N]
  cnt2 = cnt_flat.reshape(_NC, _CAC)[:, :_N].reshape(_NC, _N, 1)
  h = _tc_layer1(sum2, cnt2, x, W1l, b1.reshape(1, _D), W1r)

  (sumh_flat,) = agg(h, src, dst, zrow)
  sumh2 = sumh_flat.reshape(_NC, _ACC_ROWS, _D)[:, :_N]
  mu, logstd = _tc_layer23(sumh2, cnt2, h, Wmul, bmu.reshape(1, 64), Wmur,
                           Wlsl, bls.reshape(1, 64), Wlsr)
  return (mu, logstd)

# --- scband reference (transcript-rebuilt; emitter-appended) ---
"""Pipeline reference for scband-variational-graph-sage-encoder-17952963297838 (READ-ONLY COPY).

The authoritative reference and input builder live on the scoring server;
editing this copy changes nothing except your own understanding.
"""

import jax, jax.numpy as jnp
import numpy as np

N = 10000
E = 320000
D_IN = 128
D_OUT = 64
D_HID = 2 * D_OUT  # 128


def _glorot(key, shape):
    fan_in = shape[1]
    return jax.random.normal(key, shape, dtype=jnp.float32) * (1.0 / np.sqrt(fan_in))


def setup_inputs(seed: int = 0) -> dict:
    key = jax.random.key(seed)
    ks = jax.random.split(key, 12)
    x = jax.random.normal(ks[0], (N, D_IN), dtype=jnp.float32)
    edge_index = jax.random.randint(ks[1], (2, E), 0, N, dtype=jnp.int32)
    # SAGEConv params: lin_l (applied to aggregated neighbors, with bias), lin_r (applied to root, no bias)
    W1l = _glorot(ks[2], (D_HID, D_IN))
    b1 = jnp.zeros((D_HID,), dtype=jnp.float32)
    W1r = _glorot(ks[3], (D_HID, D_IN))
    Wmul = _glorot(ks[4], (D_OUT, D_HID))
    bmu = jnp.zeros((D_OUT,), dtype=jnp.float32)
    Wmur = _glorot(ks[5], (D_OUT, D_HID))
    Wlsl = _glorot(ks[6], (D_OUT, D_HID))
    bls = jnp.zeros((D_OUT,), dtype=jnp.float32)
    Wlsr = _glorot(ks[7], (D_OUT, D_HID))
    return {"x": x, "edge_index": edge_index, "W1l": W1l, "b1": b1, "W1r": W1r,
            "Wmul": Wmul, "bmu": bmu, "Wmur": Wmur, "Wlsl": Wlsl, "bls": bls, "Wlsr": Wlsr}


def _sage_conv(x, src, dst, Wl, b, Wr, num_nodes):
    # mean aggregation of neighbor messages at destination nodes
    msg = jnp.take(x, src, axis=0)
    summed = jax.ops.segment_sum(msg, dst, num_segments=num_nodes)
    cnt = jax.ops.segment_sum(jnp.ones((msg.shape[0],), dtype=x.dtype), dst, num_segments=num_nodes)
    mean = summed / jnp.maximum(cnt, 1.0)[:, None]
    return mean @ Wl.T + b + x @ Wr.T


def reference(x, edge_index, W1l, b1, W1r, Wmul, bmu, Wmur, Wlsl, bls, Wlsr):
    src = edge_index[0]
    dst = edge_index[1]
    h = _sage_conv(x, src, dst, W1l, b1, W1r, N)
    h = jax.nn.relu(h)
    mu = _sage_conv(h, src, dst, Wmul, bmu, Wmur, N)
    logstd = _sage_conv(h, src, dst, Wlsl, bls, Wlsr, N)
    return (mu, logstd)

if __name__ == "__main__":
    import jax
    _d = setup_inputs()
    print(jax.jit(kernel)(*tuple(_d.values())))

</pallas_src>

<mosaic_0001>
#map = affine_map<(d0, d1) -> (0, 0)>
#map1 = affine_map<(d0, d1) -> (0)>
module attributes {stable_mosaic.version = 14 : i64} {
  func.func @body(%arg0: i32, %arg1: i32, %arg2: memref<10000x128xf32, #tpu.memory_space<hbm>>, %arg3: memref<323584xi32, #tpu.memory_space<hbm>>, %arg4: memref<323584xi32, #tpu.memory_space<hbm>>, %arg5: memref<632x128xf32, #tpu.memory_space<hbm>>, %arg6: memref<20224x128xf32, #tpu.memory_space<hbm>>, %arg7: memref<10112x128xf32, #tpu.memory_space<vmem_shared>>, %arg8: memref<128xi32, #tpu.memory_space<vmem>>, %arg9: memref<128xi32, #tpu.memory_space<vmem>>, %arg10: memref<128x128xf32, #tpu.memory_space<vmem>>, %arg11: memref<!tpu.dma_semaphore, #tpu.memory_space<semaphore_mem>>) attributes {dimension_semantics = [#tpu.dimension_semantics<core_parallel>, #tpu.dimension_semantics<subcore_parallel>], iteration_bounds = array<i64: 2, 16>, scalar_prefetch = 0 : i64, scratch_operands = 5 : i64, tpu.core_type = #tpu.core_type<sc_vector_subcore>, window_params = [{transform_indices = #map}, {transform_indices = #map1}, {transform_indices = #map1}, {transform_indices = #map}, {transform_indices = #map}]} {
    %mul3A = arith.constant 632 : i32
    %mul3A_0 = arith.muli %arg1, %mul3A : i32
    "tpu.region"() ({
      %run_scoped3A = tpu.sem_alloc : memref<!tpu.dma_semaphore, #tpu.memory_space<semaphore_mem>>
      %dma_start3A = arith.constant 0 : i32
      %dma_start3A_17 = tpu.memref_slice %arg7[%mul3A_0, %dma_start3A] : memref<10112x128xf32, #tpu.memory_space<vmem_shared>> -> memref<632x128xf32, #tpu.memory_space<vmem_shared>>
      tpu.enqueue_dma source(%arg5 : memref<632x128xf32, #tpu.memory_space<hbm>>) target(%dma_start3A_17 : memref<632x128xf32, #tpu.memory_space<vmem_shared>>) target_semaphore(%run_scoped3A : memref<!tpu.dma_semaphore, #tpu.memory_space<semaphore_mem>>)
      %dma_wait3A = arith.constant 0 : i32
      %dma_wait3A_18 = tpu.memref_slice %arg7[%mul3A_0, %dma_wait3A] : memref<10112x128xf32, #tpu.memory_space<vmem_shared>> -> memref<632x128xf32, #tpu.memory_space<vmem_shared>>
      tpu.wait_dma2 semaphore(%run_scoped3A : memref<!tpu.dma_semaphore, #tpu.memory_space<semaphore_mem>>) src(%arg5 : memref<632x128xf32, #tpu.memory_space<hbm>>) dst(%dma_wait3A_18 : memref<632x128xf32, #tpu.memory_space<vmem_shared>>)
      tpu.yield
    }) : () -> ()
    %barrier3A = arith.constant 0 : index
    tpu.barrier barrier_id(%barrier3A)
    %mul3A_1 = arith.constant 16 : i32
    %mul3A_2 = arith.muli %arg0, %mul3A_1 : i32
    %add3A = arith.addi %mul3A_2, %arg1 : i32
    %mul3A_3 = arith.constant 79 : i32
    %mul3A_4 = arith.muli %add3A, %mul3A_3 : i32
    %mul3A_5 = arith.constant 128 : i32
    %mul3A_6 = arith.muli %mul3A_4, %mul3A_5 : i32
    %scan3A = arith.constant 0 : i32
    %scan3A_7 = arith.constant 0 : i32
    %scan3A_8 = arith.constant 79 : i32
    %scan3A_9 = arith.addi %scan3A_7, %scan3A_8 : i32
    %scan3A_10 = arith.constant 1 : i32
    scf.for %scan3A_17 = %scan3A_7 to %scan3A_9 step %scan3A_10  : i32 {
      %mul3A_18 = arith.constant 128 : i32
      %mul3A_19 = arith.muli %scan3A_17, %mul3A_18 : i32
      %add3A_20 = arith.addi %mul3A_6, %mul3A_19 : i32
      "tpu.region"() ({
        %run_scoped3A = tpu.sem_alloc : memref<!tpu.dma_semaphore, #tpu.memory_space<semaphore_mem>>
        %dma_start3A_25 = tpu.memref_slice %arg3[%add3A_20] : memref<323584xi32, #tpu.memory_space<hbm>> -> memref<128xi32, #tpu.memory_space<hbm>>
        %dma_start3A_26 = tpu.memref_slice %arg3[%add3A_20] : memref<323584xi32, #tpu.memory_space<hbm>> -> memref<128xi32, #tpu.memory_space<hbm>>
        tpu.enqueue_dma source(%dma_start3A_26 : memref<128xi32, #tpu.memory_space<hbm>>) target(%arg8 : memref<128xi32, #tpu.memory_space<vmem>>) target_semaphore(%run_scoped3A : memref<!tpu.dma_semaphore, #tpu.memory_space<semaphore_mem>>)
        %dma_wait3A_27 = tpu.memref_slice %arg3[%add3A_20] : memref<323584xi32, #tpu.memory_space<hbm>> -> memref<128xi32, #tpu.memory_space<hbm>>
        %dma_wait3A_28 = tpu.memref_slice %arg3[%add3A_20] : memref<323584xi32, #tpu.memory_space<hbm>> -> memref<128xi32, #tpu.memory_space<hbm>>
        tpu.wait_dma2 semaphore(%run_scoped3A : memref<!tpu.dma_semaphore, #tpu.memory_space<semaphore_mem>>) src(%dma_wait3A_28 : memref<128xi32, #tpu.memory_space<hbm>>) dst(%arg8 : memref<128xi32, #tpu.memory_space<vmem>>)
        tpu.yield
      }) : () -> ()
      "tpu.region"() ({
        %run_scoped3A = tpu.sem_alloc : memref<!tpu.dma_semaphore, #tpu.memory_space<semaphore_mem>>
        %dma_start3A_25 = tpu.memref_slice %arg4[%add3A_20] : memref<323584xi32, #tpu.memory_space<hbm>> -> memref<128xi32, #tpu.memory_space<hbm>>
        %dma_start3A_26 = tpu.memref_slice %arg4[%add3A_20] : memref<323584xi32, #tpu.memory_space<hbm>> -> memref<128xi32, #tpu.memory_space<hbm>>
        tpu.enqueue_dma source(%dma_start3A_26 : memref<128xi32, #tpu.memory_space<hbm>>) target(%arg9 : memref<128xi32, #tpu.memory_space<vmem>>) target_semaphore(%run_scoped3A : memref<!tpu.dma_semaphore, #tpu.memory_space<semaphore_mem>>)
        %dma_wait3A_27 = tpu.memref_slice %arg4[%add3A_20] : memref<323584xi32, #tpu.memory_space<hbm>> -> memref<128xi32, #tpu.memory_space<hbm>>
        %dma_wait3A_28 = tpu.memref_slice %arg4[%add3A_20] : memref<323584xi32, #tpu.memory_space<hbm>> -> memref<128xi32, #tpu.memory_space<hbm>>
        tpu.wait_dma2 semaphore(%run_scoped3A : memref<!tpu.dma_semaphore, #tpu.memory_space<semaphore_mem>>) src(%dma_wait3A_28 : memref<128xi32, #tpu.memory_space<hbm>>) dst(%arg9 : memref<128xi32, #tpu.memory_space<vmem>>)
        tpu.yield
      }) : () -> ()
      %dma_start3A = arith.constant 0 : i32
      %dma_start3A_21 = arith.constant 0 : i32
      %dma_start3A_22 = tpu.memref_slice %arg2[%dma_start3A, %dma_start3A_21] : memref<10000x128xf32, #tpu.memory_space<hbm>> -> memref<10000x128xf32, #tpu.memory_space<hbm>>
      tpu.enqueue_indirect_dma source(%dma_start3A_22 : memref<10000x128xf32, #tpu.memory_space<hbm>>) target(%arg10 : memref<128x128xf32, #tpu.memory_space<vmem>>) offsets(%arg8 : memref<128xi32, #tpu.memory_space<vmem>>) semaphore(%arg11 : memref<!tpu.dma_semaphore, #tpu.memory_space<semaphore_mem>>)
      %dma_wait3A = arith.constant 0 : i32
      %dma_wait3A_23 = arith.constant 0 : i32
      %dma_wait3A_24 = tpu.memref_slice %arg2[%dma_wait3A, %dma_wait3A_23] : memref<10000x128xf32, #tpu.memory_space<hbm>> -> memref<10000x128xf32, #tpu.memory_space<hbm>>
      tpu.wait_indirect_dma semaphore(%arg11 : memref<!tpu.dma_semaphore, #tpu.memory_space<semaphore_mem>>) src(%dma_wait3A_24 : memref<10000x128xf32, #tpu.memory_space<hbm>>) dst(%arg10 : memref<128x128xf32, #tpu.memory_space<vmem>>)
      "tpu.region"() ({
        %run_scoped3A = tpu.sem_alloc : memref<!tpu.dma_semaphore, #tpu.memory_space<semaphore_mem>>
        %dma_start3A_25 = arith.constant 0 : i32
        %dma_start3A_26 = arith.constant 0 : i32
        %dma_start3A_27 = tpu.memref_slice %arg7[%dma_start3A_25, %dma_start3A_26] : memref<10112x128xf32, #tpu.memory_space<vmem_shared>> -> memref<10112x128xf32, #tpu.memory_space<vmem_shared>>
        tpu.enqueue_indirect_dma source(%arg10 : memref<128x128xf32, #tpu.memory_space<vmem>>) target(%dma_start3A_27 : memref<10112x128xf32, #tpu.memory_space<vmem_shared>>) offsets(%arg9 : memref<128xi32, #tpu.memory_space<vmem>>) semaphore(%run_scoped3A : memref<!tpu.dma_semaphore, #tpu.memory_space<semaphore_mem>>) {add = true}
        %dma_wait3A_28 = arith.constant 0 : i32
        %dma_wait3A_29 = arith.constant 0 : i32
        %dma_wait3A_30 = tpu.memref_slice %arg7[%dma_wait3A_28, %dma_wait3A_29] : memref<10112x128xf32, #tpu.memory_space<vmem_shared>> -> memref<10112x128xf32, #tpu.memory_space<vmem_shared>>
        tpu.wait_indirect_dma semaphore(%run_scoped3A : memref<!tpu.dma_semaphore, #tpu.memory_space<semaphore_mem>>) src(%arg10 : memref<128x128xf32, #tpu.memory_space<vmem>>) dst(%dma_wait3A_30 : memref<10112x128xf32, #tpu.memory_space<vmem_shared>>)
        tpu.yield
      }) : () -> ()
    }
    %scan3A_11 = arith.constant 79 : i32
    %barrier3A_12 = arith.constant 0 : index
    tpu.barrier barrier_id(%barrier3A_12)
    %mul3A_13 = arith.constant 10112 : i32
    %mul3A_14 = arith.muli %arg0, %mul3A_13 : i32
    %add3A_15 = arith.addi %mul3A_14, %mul3A_0 : i32
    "tpu.region"() ({
      %run_scoped3A = tpu.sem_alloc : memref<!tpu.dma_semaphore, #tpu.memory_space<semaphore_mem>>
      %dma_start3A = arith.constant 0 : i32
      %dma_start3A_17 = tpu.memref_slice %arg6[%add3A_15, %dma_start3A] : memref<20224x128xf32, #tpu.memory_space<hbm>> -> memref<632x128xf32, #tpu.memory_space<hbm>>
      %dma_start3A_18 = arith.constant 0 : i32
      %dma_start3A_19 = tpu.memref_slice %arg7[%mul3A_0, %dma_start3A_18] : memref<10112x128xf32, #tpu.memory_space<vmem_shared>> -> memref<632x128xf32, #tpu.memory_space<vmem_shared>>
      tpu.enqueue_dma source(%dma_start3A_19 : memref<632x128xf32, #tpu.memory_space<vmem_shared>>) target(%dma_start3A_17 : memref<632x128xf32, #tpu.memory_space<hbm>>) target_semaphore(%run_scoped3A : memref<!tpu.dma_semaphore, #tpu.memory_space<semaphore_mem>>)
      %dma_wait3A = arith.constant 0 : i32
      %dma_wait3A_20 = tpu.memref_slice %arg6[%add3A_15, %dma_wait3A] : memref<20224x128xf32, #tpu.memory_space<hbm>> -> memref<632x128xf32, #tpu.memory_space<hbm>>
      %dma_wait3A_21 = arith.constant 0 : i32
      %dma_wait3A_22 = tpu.memref_slice %arg7[%mul3A_0, %dma_wait3A_21] : memref<10112x128xf32, #tpu.memory_space<vmem_shared>> -> memref<632x128xf32, #tpu.memory_space<vmem_shared>>
      tpu.wait_dma2 semaphore(%run_scoped3A : memref<!tpu.dma_semaphore, #tpu.memory_space<semaphore_mem>>) src(%dma_wait3A_22 : memref<632x128xf32, #tpu.memory_space<vmem_shared>>) dst(%dma_wait3A_20 : memref<632x128xf32, #tpu.memory_space<hbm>>)
      tpu.yield
    }) : () -> ()
    %barrier3A_16 = arith.constant 0 : index
    tpu.barrier barrier_id(%barrier3A_16)
    return
  }
}

#map = affine_map<(d0, d1) -> (0, 0)>
#map1 = affine_map<(d0, d1) -> (0)>
module attributes {stable_mosaic.version = 14 : i64} {
  func.func @body(%arg0: i32, %arg1: i32, %arg2: memref<10000x128xf32, #tpu.memory_space<hbm>>, %arg3: memref<323584xi32, #tpu.memory_space<hbm>>, %arg4: memref<323584xi32, #tpu.memory_space<hbm>>, %arg5: memref<632x128xf32, #tpu.memory_space<hbm>>, %arg6: memref<640xf32, #tpu.memory_space<hbm>>, %arg7: memref<20224x128xf32, #tpu.memory_space<hbm>>, %arg8: memref<20480xf32, #tpu.memory_space<hbm>>, %arg9: memref<10112x128xf32, #tpu.memory_space<vmem_shared>>, %arg10: memref<128xi32, #tpu.memory_space<vmem>>, %arg11: memref<128xi32, #tpu.memory_space<vmem>>, %arg12: memref<128x128xf32, #tpu.memory_space<vmem>>, %arg13: memref<!tpu.dma_semaphore, #tpu.memory_space<semaphore_mem>>, %arg14: memref<10240xf32, #tpu.memory_space<vmem_shared>>, %arg15: memref<128xf32, #tpu.memory_space<vmem>>, %arg16: memref<640xf32, #tpu.memory_space<vmem>>) attributes {dimension_semantics = [#tpu.dimension_semantics<core_parallel>, #tpu.dimension_semantics<subcore_parallel>], iteration_bounds = array<i64: 2, 16>, scalar_prefetch = 0 : i64, scratch_operands = 8 : i64, tpu.core_type = #tpu.core_type<sc_vector_subcore>, window_params = [{transform_indices = #map}, {transform_indices = #map1}, {transform_indices = #map1}, {transform_indices = #map}, {transform_indices = #map1}, {transform_indices = #map}, {transform_indices = #map1}]} {
    %mul3A = arith.constant 632 : i32
    %mul3A_0 = arith.muli %arg1, %mul3A : i32
    "tpu.region"() ({
      %run_scoped3A = tpu.sem_alloc : memref<!tpu.dma_semaphore, #tpu.memory_space<semaphore_mem>>
      %dma_start3A = arith.constant 0 : i32
      %dma_start3A_68 = tpu.memref_slice %arg9[%mul3A_0, %dma_start3A] : memref<10112x128xf32, #tpu.memory_space<vmem_shared>> -> memref<632x128xf32, #tpu.memory_space<vmem_shared>>
      tpu.enqueue_dma source(%arg5 : memref<632x128xf32, #tpu.memory_space<hbm>>) target(%dma_start3A_68 : memref<632x128xf32, #tpu.memory_space<vmem_shared>>) target_semaphore(%run_scoped3A : memref<!tpu.dma_semaphore, #tpu.memory_space<semaphore_mem>>)
      %dma_wait3A = arith.constant 0 : i32
      %dma_wait3A_69 = tpu.memref_slice %arg9[%mul3A_0, %dma_wait3A] : memref<10112x128xf32, #tpu.memory_space<vmem_shared>> -> memref<632x128xf32, #tpu.memory_space<vmem_shared>>
      tpu.wait_dma2 semaphore(%run_scoped3A : memref<!tpu.dma_semaphore, #tpu.memory_space<semaphore_mem>>) src(%arg5 : memref<632x128xf32, #tpu.memory_space<hbm>>) dst(%dma_wait3A_69 : memref<632x128xf32, #tpu.memory_space<vmem_shared>>)
      tpu.yield
    }) : () -> ()
    %mul3A_1 = arith.constant 640 : i32
    %mul3A_2 = arith.muli %arg1, %mul3A_1 : i32
    %broadcast_in_dim3A = arith.constant 1.000000e+00 : f32
    %broadcast_in_dim3A_3 = vector.broadcast %broadcast_in_dim3A : f32 to vector<16xf32>
    %swap3A = arith.constant 0 : index
    %swap3A_4 = tpu.vector_load %arg15[%swap3A] {strides = array<i32>} : memref<128xf32, #tpu.memory_space<vmem>>, vector<16xf32>,
    %swap3A_5 = vector.shape_cast %swap3A_4 : vector<16xf32> to vector<16xf32>
    %swap3A_6 = vector.shape_cast %broadcast_in_dim3A_3 : vector<16xf32> to vector<16xf32>
    tpu.vector_store %arg15[%swap3A], %swap3A_6 {strides = array<i32>} : memref<128xf32, #tpu.memory_space<vmem>>, vector<16xf32>,
    %broadcast_in_dim3A_7 = arith.constant 1.000000e+00 : f32
    %broadcast_in_dim3A_8 = vector.broadcast %broadcast_in_dim3A_7 : f32 to vector<16xf32>
    %swap3A_9 = arith.constant 16 : index
    %swap3A_10 = tpu.vector_load %arg15[%swap3A_9] {strides = array<i32>} : memref<128xf32, #tpu.memory_space<vmem>>, vector<16xf32>,
    %swap3A_11 = vector.shape_cast %swap3A_10 : vector<16xf32> to vector<16xf32>
    %swap3A_12 = vector.shape_cast %broadcast_in_dim3A_8 : vector<16xf32> to vector<16xf32>
    tpu.vector_store %arg15[%swap3A_9], %swap3A_12 {strides = array<i32>} : memref<128xf32, #tpu.memory_space<vmem>>, vector<16xf32>,
    %broadcast_in_dim3A_13 = arith.constant 1.000000e+00 : f32
    %broadcast_in_dim3A_14 = vector.broadcast %broadcast_in_dim3A_13 : f32 to vector<16xf32>
    %swap3A_15 = arith.constant 32 : index
    %swap3A_16 = tpu.vector_load %arg15[%swap3A_15] {strides = array<i32>} : memref<128xf32, #tpu.memory_space<vmem>>, vector<16xf32>,
    %swap3A_17 = vector.shape_cast %swap3A_16 : vector<16xf32> to vector<16xf32>
    %swap3A_18 = vector.shape_cast %broadcast_in_dim3A_14 : vector<16xf32> to vector<16xf32>
    tpu.vector_store %arg15[%swap3A_15], %swap3A_18 {strides = array<i32>} : memref<128xf32, #tpu.memory_space<vmem>>, vector<16xf32>,
    %broadcast_in_dim3A_19 = arith.constant 1.000000e+00 : f32
    %broadcast_in_dim3A_20 = vector.broadcast %broadcast_in_dim3A_19 : f32 to vector<16xf32>
    %swap3A_21 = arith.constant 48 : index
    %swap3A_22 = tpu.vector_load %arg15[%swap3A_21] {strides = array<i32>} : memref<128xf32, #tpu.memory_space<vmem>>, vector<16xf32>,
    %swap3A_23 = vector.shape_cast %swap3A_22 : vector<16xf32> to vector<16xf32>
    %swap3A_24 = vector.shape_cast %broadcast_in_dim3A_20 : vector<16xf32> to vector<16xf32>
    tpu.vector_store %arg15[%swap3A_21], %swap3A_24 {strides = array<i32>} : memref<128xf32, #tpu.memory_space<vmem>>, vector<16xf32>,
    %broadcast_in_dim3A_25 = arith.constant 1.000000e+00 : f32
    %broadcast_in_dim3A_26 = vector.broadcast %broadcast_in_dim3A_25 : f32 to vector<16xf32>
    %swap3A_27 = arith.constant 64 : index
    %swap3A_28 = tpu.vector_load %arg15[%swap3A_27] {strides = array<i32>} : memref<128xf32, #tpu.memory_space<vmem>>, vector<16xf32>,
    %swap3A_29 = vector.shape_cast %swap3A_28 : vector<16xf32> to vector<16xf32>
    %swap3A_30 = vector.shape_cast %broadcast_in_dim3A_26 : vector<16xf32> to vector<16xf32>
    tpu.vector_store %arg15[%swap3A_27], %swap3A_30 {strides = array<i32>} : memref<128xf32, #tpu.memory_space<vmem>>, vector<16xf32>,
    %broadcast_in_dim3A_31 = arith.constant 1.000000e+00 : f32
    %broadcast_in_dim3A_32 = vector.broadcast %broadcast_in_dim3A_31 : f32 to vector<16xf32>
    %swap3A_33 = arith.constant 80 : index
    %swap3A_34 = tpu.vector_load %arg15[%swap3A_33] {strides = array<i32>} : memref<128xf32, #tpu.memory_space<vmem>>, vector<16xf32>,
    %swap3A_35 = vector.shape_cast %swap3A_34 : vector<16xf32> to vector<16xf32>
    %swap3A_36 = vector.shape_cast %broadcast_in_dim3A_32 : vector<16xf32> to vector<16xf32>
    tpu.vector_store %arg15[%swap3A_33], %swap3A_36 {strides = array<i32>} : memref<128xf32, #tpu.memory_space<vmem>>, vector<16xf32>,
    %broadcast_in_dim3A_37 = arith.constant 1.000000e+00 : f32
    %broadcast_in_dim3A_38 = vector.broadcast %broadcast_in_dim3A_37 : f32 to vector<16xf32>
    %swap3A_39 = arith.constant 96 : index
    %swap3A_40 = tpu.vector_load %arg15[%swap3A_39] {strides = array<i32>} : memref<128xf32, #tpu.memory_space<vmem>>, vector<16xf32>,
    %swap3A_41 = vector.shape_cast %swap3A_40 : vector<16xf32> to vector<16xf32>
    %swap3A_42 = vector.shape_cast %broadcast_in_dim3A_38 : vector<16xf32> to vector<16xf32>
    tpu.vector_store %arg15[%swap3A_39], %swap3A_42 {strides = array<i32>} : memref<128xf32, #tpu.memory_space<vmem>>, vector<16xf32>,
    %broadcast_in_dim3A_43 = arith.constant 1.000000e+00 : f32
    %broadcast_in_dim3A_44 = vector.broadcast %broadcast_in_dim3A_43 : f32 to vector<16xf32>
    %swap3A_45 = arith.constant 112 : index
    %swap3A_46 = tpu.vector_load %arg15[%swap3A_45] {strides = array<i32>} : memref<128xf32, #tpu.memory_space<vmem>>, vector<16xf32>,
    %swap3A_47 = vector.shape_cast %swap3A_46 : vector<16xf32> to vector<16xf32>
    %swap3A_48 = vector.shape_cast %broadcast_in_dim3A_44 : vector<16xf32> to vector<16xf32>
    tpu.vector_store %arg15[%swap3A_45], %swap3A_48 {strides = array<i32>} : memref<128xf32, #tpu.memory_space<vmem>>, vector<16xf32>,
    "tpu.region"() ({
      %run_scoped3A = tpu.sem_alloc : memref<!tpu.dma_semaphore, #tpu.memory_space<semaphore_mem>>
      tpu.enqueue_dma source(%arg6 : memref<640xf32, #tpu.memory_space<hbm>>) target(%arg16 : memref<640xf32, #tpu.memory_space<vmem>>) target_semaphore(%run_scoped3A : memref<!tpu.dma_semaphore, #tpu.memory_space<semaphore_mem>>)
      tpu.wait_dma2 semaphore(%run_scoped3A : memref<!tpu.dma_semaphore, #tpu.memory_space<semaphore_mem>>) src(%arg6 : memref<640xf32, #tpu.memory_space<hbm>>) dst(%arg16 : memref<640xf32, #tpu.memory_space<vmem>>)
      tpu.yield
    }) : () -> ()
    "tpu.region"() ({
      %run_scoped3A = tpu.sem_alloc : memref<!tpu.dma_semaphore, #tpu.memory_space<semaphore_mem>>
      %dma_start3A = tpu.memref_slice %arg14[%mul3A_2] : memref<10240xf32, #tpu.memory_space<vmem_shared>> -> memref<640xf32, #tpu.memory_space<vmem_shared>>
      %dma_start3A_68 = tpu.memref_slice %arg14[%mul3A_2] : memref<10240xf32, #tpu.memory_space<vmem_shared>> -> memref<640xf32, #tpu.memory_space<vmem_shared>>
      tpu.enqueue_dma source(%arg16 : memref<640xf32, #tpu.memory_space<vmem>>) target(%dma_start3A_68 : memref<640xf32, #tpu.memory_space<vmem_shared>>) target_semaphore(%run_scoped3A : memref<!tpu.dma_semaphore, #tpu.memory_space<semaphore_mem>>)
      %dma_wait3A = tpu.memref_slice %arg14[%mul3A_2] : memref<10240xf32, #tpu.memory_space<vmem_shared>> -> memref<640xf32, #tpu.memory_space<vmem_shared>>
      %dma_wait3A_69 = tpu.memref_slice %arg14[%mul3A_2] : memref<10240xf32, #tpu.memory_space<vmem_shared>> -> memref<640xf32, #tpu.memory_space<vmem_shared>>
      tpu.wait_dma2 semaphore(%run_scoped3A : memref<!tpu.dma_semaphore, #tpu.memory_space<semaphore_mem>>) src(%arg16 : memref<640xf32, #tpu.memory_space<vmem>>) dst(%dma_wait3A_69 : memref<640xf32, #tpu.memory_space<vmem_shared>>)
      tpu.yield
    }) : () -> ()
    %barrier3A = arith.constant 0 : index
    tpu.barrier barrier_id(%barrier3A)
    %mul3A_49 = arith.constant 16 : i32
    %mul3A_50 = arith.muli %arg0, %mul3A_49 : i32
    %add3A = arith.addi %mul3A_50, %arg1 : i32
    %mul3A_51 = arith.constant 79 : i32
    %mul3A_52 = arith.muli %add3A, %mul3A_51 : i32
    %mul3A_53 = arith.constant 128 : i32
    %mul3A_54 = arith.muli %mul3A_52, %mul3A_53 : i32
    %scan3A = arith.constant 0 : i32
    %scan3A_55 = arith.constant 0 : i32
    %scan3A_56 = arith.constant 79 : i32
    %scan3A_57 = arith.addi %scan3A_55, %scan3A_56 : i32
    %scan3A_58 = arith.constant 1 : i32
    scf.for %scan3A_68 = %scan3A_55 to %scan3A_57 step %scan3A_58  : i32 {
      %mul3A_69 = arith.constant 128 : i32
      %mul3A_70 = arith.muli %scan3A_68, %mul3A_69 : i32
      %add3A_71 = arith.addi %mul3A_54, %mul3A_70 : i32
      "tpu.region"() ({
        %run_scoped3A = tpu.sem_alloc : memref<!tpu.dma_semaphore, #tpu.memory_space<semaphore_mem>>
        %dma_start3A_76 = tpu.memref_slice %arg3[%add3A_71] : memref<323584xi32, #tpu.memory_space<hbm>> -> memref<128xi32, #tpu.memory_space<hbm>>
        %dma_start3A_77 = tpu.memref_slice %arg3[%add3A_71] : memref<323584xi32, #tpu.memory_space<hbm>> -> memref<128xi32, #tpu.memory_space<hbm>>
        tpu.enqueue_dma source(%dma_start3A_77 : memref<128xi32, #tpu.memory_space<hbm>>) target(%arg10 : memref<128xi32, #tpu.memory_space<vmem>>) target_semaphore(%run_scoped3A : memref<!tpu.dma_semaphore, #tpu.memory_space<semaphore_mem>>)
        %dma_wait3A_78 = tpu.memref_slice %arg3[%add3A_71] : memref<323584xi32, #tpu.memory_space<hbm>> -> memref<128xi32, #tpu.memory_space<hbm>>
        %dma_wait3A_79 = tpu.memref_slice %arg3[%add3A_71] : memref<323584xi32, #tpu.memory_space<hbm>> -> memref<128xi32, #tpu.memory_space<hbm>>
        tpu.wait_dma2 semaphore(%run_scoped3A : memref<!tpu.dma_semaphore, #tpu.memory_space<semaphore_mem>>) src(%dma_wait3A_79 : memref<128xi32, #tpu.memory_space<hbm>>) dst(%arg10 : memref<128xi32, #tpu.memory_space<vmem>>)
        tpu.yield
      }) : () -> ()
      "tpu.region"() ({
        %run_scoped3A = tpu.sem_alloc : memref<!tpu.dma_semaphore, #tpu.memory_space<semaphore_mem>>
        %dma_start3A_76 = tpu.memref_slice %arg4[%add3A_71] : memref<323584xi32, #tpu.memory_space<hbm>> -> memref<128xi32, #tpu.memory_space<hbm>>
        %dma_start3A_77 = tpu.memref_slice %arg4[%add3A_71] : memref<323584xi32, #tpu.memory_space<hbm>> -> memref<128xi32, #tpu.memory_space<hbm>>
        tpu.enqueue_dma source(%dma_start3A_77 : memref<128xi32, #tpu.memory_space<hbm>>) target(%arg11 : memref<128xi32, #tpu.memory_space<vmem>>) target_semaphore(%run_scoped3A : memref<!tpu.dma_semaphore, #tpu.memory_space<semaphore_mem>>)
        %dma_wait3A_78 = tpu.memref_slice %arg4[%add3A_71] : memref<323584xi32, #tpu.memory_space<hbm>> -> memref<128xi32, #tpu.memory_space<hbm>>
        %dma_wait3A_79 = tpu.memref_slice %arg4[%add3A_71] : memref<323584xi32, #tpu.memory_space<hbm>> -> memref<128xi32, #tpu.memory_space<hbm>>
        tpu.wait_dma2 semaphore(%run_scoped3A : memref<!tpu.dma_semaphore, #tpu.memory_space<semaphore_mem>>) src(%dma_wait3A_79 : memref<128xi32, #tpu.memory_space<hbm>>) dst(%arg11 : memref<128xi32, #tpu.memory_space<vmem>>)
        tpu.yield
      }) : () -> ()
      %dma_start3A = arith.constant 0 : i32
      %dma_start3A_72 = arith.constant 0 : i32
      %dma_start3A_73 = tpu.memref_slice %arg2[%dma_start3A, %dma_start3A_72] : memref<10000x128xf32, #tpu.memory_space<hbm>> -> memref<10000x128xf32, #tpu.memory_space<hbm>>
      tpu.enqueue_indirect_dma source(%dma_start3A_73 : memref<10000x128xf32, #tpu.memory_space<hbm>>) target(%arg12 : memref<128x128xf32, #tpu.memory_space<vmem>>) offsets(%arg10 : memref<128xi32, #tpu.memory_space<vmem>>) semaphore(%arg13 : memref<!tpu.dma_semaphore, #tpu.memory_space<semaphore_mem>>)
      %dma_wait3A = arith.constant 0 : i32
      %dma_wait3A_74 = arith.constant 0 : i32
      %dma_wait3A_75 = tpu.memref_slice %arg2[%dma_wait3A, %dma_wait3A_74] : memref<10000x128xf32, #tpu.memory_space<hbm>> -> memref<10000x128xf32, #tpu.memory_space<hbm>>
      tpu.wait_indirect_dma semaphore(%arg13 : memref<!tpu.dma_semaphore, #tpu.memory_space<semaphore_mem>>) src(%dma_wait3A_75 : memref<10000x128xf32, #tpu.memory_space<hbm>>) dst(%arg12 : memref<128x128xf32, #tpu.memory_space<vmem>>)
      "tpu.region"() ({
        %run_scoped3A = tpu.sem_alloc : memref<!tpu.dma_semaphore, #tpu.memory_space<semaphore_mem>>
        %dma_start3A_76 = arith.constant 0 : i32
        %dma_start3A_77 = arith.constant 0 : i32
        %dma_start3A_78 = tpu.memref_slice %arg9[%dma_start3A_76, %dma_start3A_77] : memref<10112x128xf32, #tpu.memory_space<vmem_shared>> -> memref<10112x128xf32, #tpu.memory_space<vmem_shared>>
        tpu.enqueue_indirect_dma source(%arg12 : memref<128x128xf32, #tpu.memory_space<vmem>>) target(%dma_start3A_78 : memref<10112x128xf32, #tpu.memory_space<vmem_shared>>) offsets(%arg11 : memref<128xi32, #tpu.memory_space<vmem>>) semaphore(%run_scoped3A : memref<!tpu.dma_semaphore, #tpu.memory_space<semaphore_mem>>) {add = true}
        %dma_wait3A_79 = arith.constant 0 : i32
        %dma_wait3A_80 = arith.constant 0 : i32
        %dma_wait3A_81 = tpu.memref_slice %arg9[%dma_wait3A_79, %dma_wait3A_80] : memref<10112x128xf32, #tpu.memory_space<vmem_shared>> -> memref<10112x128xf32, #tpu.memory_space<vmem_shared>>
        tpu.wait_indirect_dma semaphore(%run_scoped3A : memref<!tpu.dma_semaphore, #tpu.memory_space<semaphore_mem>>) src(%arg12 : memref<128x128xf32, #tpu.memory_space<vmem>>) dst(%dma_wait3A_81 : memref<10112x128xf32, #tpu.memory_space<vmem_shared>>)
        tpu.yield
      }) : () -> ()
      "tpu.region"() ({
        %run_scoped3A = tpu.sem_alloc : memref<!tpu.dma_semaphore, #tpu.memory_space<semaphore_mem>>
        %dma_start3A_76 = arith.constant 0 : i32
        %dma_start3A_77 = tpu.memref_slice %arg14[%dma_start3A_76] : memref<10240xf32, #tpu.memory_space<vmem_shared>> -> memref<10240xf32, #tpu.memory_space<vmem_shared>>
        tpu.enqueue_indirect_dma source(%arg15 : memref<128xf32, #tpu.memory_space<vmem>>) target(%dma_start3A_77 : memref<10240xf32, #tpu.memory_space<vmem_shared>>) offsets(%arg11 : memref<128xi32, #tpu.memory_space<vmem>>) semaphore(%run_scoped3A : memref<!tpu.dma_semaphore, #tpu.memory_space<semaphore_mem>>) {add = true}
        %dma_wait3A_78 = arith.constant 0 : i32
        %dma_wait3A_79 = tpu.memref_slice %arg14[%dma_wait3A_78] : memref<10240xf32, #tpu.memory_space<vmem_shared>> -> memref<10240xf32, #tpu.memory_space<vmem_shared>>
        tpu.wait_indirect_dma semaphore(%run_scoped3A : memref<!tpu.dma_semaphore, #tpu.memory_space<semaphore_mem>>) src(%arg15 : memref<128xf32, #tpu.memory_space<vmem>>) dst(%dma_wait3A_79 : memref<10240xf32, #tpu.memory_space<vmem_shared>>)
        tpu.yield
      }) : () -> ()
    }
    %scan3A_59 = arith.constant 79 : i32
    %barrier3A_60 = arith.constant 0 : index
    tpu.barrier barrier_id(%barrier3A_60)
    %mul3A_61 = arith.constant 10112 : i32
    %mul3A_62 = arith.muli %arg0, %mul3A_61 : i32
    %add3A_63 = arith.addi %mul3A_62, %mul3A_0 : i32
    "tpu.region"() ({
      %run_scoped3A = tpu.sem_alloc : memref<!tpu.dma_semaphore, #tpu.memory_space<semaphore_mem>>
      %dma_start3A = arith.constant 0 : i32
      %dma_start3A_68 = tpu.memref_slice %arg7[%add3A_63, %dma_start3A] : memref<20224x128xf32, #tpu.memory_space<hbm>> -> memref<632x128xf32, #tpu.memory_space<hbm>>
      %dma_start3A_69 = arith.constant 0 : i32
      %dma_start3A_70 = tpu.memref_slice %arg9[%mul3A_0, %dma_start3A_69] : memref<10112x128xf32, #tpu.memory_space<vmem_shared>> -> memref<632x128xf32, #tpu.memory_space<vmem_shared>>
      tpu.enqueue_dma source(%dma_start3A_70 : memref<632x128xf32, #tpu.memory_space<vmem_shared>>) target(%dma_start3A_68 : memref<632x128xf32, #tpu.memory_space<hbm>>) target_semaphore(%run_scoped3A : memref<!tpu.dma_semaphore, #tpu.memory_space<semaphore_mem>>)
      %dma_wait3A = arith.constant 0 : i32
      %dma_wait3A_71 = tpu.memref_slice %arg7[%add3A_63, %dma_wait3A] : memref<20224x128xf32, #tpu.memory_space<hbm>> -> memref<632x128xf32, #tpu.memory_space<hbm>>
      %dma_wait3A_72 = arith.constant 0 : i32
      %dma_wait3A_73 = tpu.memref_slice %arg9[%mul3A_0, %dma_wait3A_72] : memref<10112x128xf32, #tpu.memory_space<vmem_shared>> -> memref<632x128xf32, #tpu.memory_space<vmem_shared>>
      tpu.wait_dma2 semaphore(%run_scoped3A : memref<!tpu.dma_semaphore, #tpu.memory_space<semaphore_mem>>) src(%dma_wait3A_73 : memref<632x128xf32, #tpu.memory_space<vmem_shared>>) dst(%dma_wait3A_71 : memref<632x128xf32, #tpu.memory_space<hbm>>)
      tpu.yield
    }) : () -> ()
    "tpu.region"() ({
      %run_scoped3A = tpu.sem_alloc : memref<!tpu.dma_semaphore, #tpu.memory_space<semaphore_mem>>
      %dma_start3A = tpu.memref_slice %arg14[%mul3A_2] : memref<10240xf32, #tpu.memory_space<vmem_shared>> -> memref<640xf32, #tpu.memory_space<vmem_shared>>
      %dma_start3A_68 = tpu.memref_slice %arg14[%mul3A_2] : memref<10240xf32, #tpu.memory_space<vmem_shared>> -> memref<640xf32, #tpu.memory_space<vmem_shared>>
      tpu.enqueue_dma source(%dma_start3A_68 : memref<640xf32, #tpu.memory_space<vmem_shared>>) target(%arg16 : memref<640xf32, #tpu.memory_space<vmem>>) target_semaphore(%run_scoped3A : memref<!tpu.dma_semaphore, #tpu.memory_space<semaphore_mem>>)
      %dma_wait3A = tpu.memref_slice %arg14[%mul3A_2] : memref<10240xf32, #tpu.memory_space<vmem_shared>> -> memref<640xf32, #tpu.memory_space<vmem_shared>>
      %dma_wait3A_69 = tpu.memref_slice %arg14[%mul3A_2] : memref<10240xf32, #tpu.memory_space<vmem_shared>> -> memref<640xf32, #tpu.memory_space<vmem_shared>>
      tpu.wait_dma2 semaphore(%run_scoped3A : memref<!tpu.dma_semaphore, #tpu.memory_space<semaphore_mem>>) src(%dma_wait3A_69 : memref<640xf32, #tpu.memory_space<vmem_shared>>) dst(%arg16 : memref<640xf32, #tpu.memory_space<vmem>>)
      tpu.yield
    }) : () -> ()
    %mul3A_64 = arith.constant 10240 : i32
    %mul3A_65 = arith.muli %arg0, %mul3A_64 : i32
    %add3A_66 = arith.addi %mul3A_65, %mul3A_2 : i32
    "tpu.region"() ({
      %run_scoped3A = tpu.sem_alloc : memref<!tpu.dma_semaphore, #tpu.memory_space<semaphore_mem>>
      %dma_start3A = tpu.memref_slice %arg8[%add3A_66] : memref<20480xf32, #tpu.memory_space<hbm>> -> memref<640xf32, #tpu.memory_space<hbm>>
      %dma_start3A_68 = tpu.memref_slice %arg8[%add3A_66] : memref<20480xf32, #tpu.memory_space<hbm>> -> memref<640xf32, #tpu.memory_space<hbm>>
      tpu.enqueue_dma source(%arg16 : memref<640xf32, #tpu.memory_space<vmem>>) target(%dma_start3A_68 : memref<640xf32, #tpu.memory_space<hbm>>) target_semaphore(%run_scoped3A : memref<!tpu.dma_semaphore, #tpu.memory_space<semaphore_mem>>)
      %dma_wait3A = tpu.memref_slice %arg8[%add3A_66] : memref<20480xf32, #tpu.memory_space<hbm>> -> memref<640xf32, #tpu.memory_space<hbm>>
      %dma_wait3A_69 = tpu.memref_slice %arg8[%add3A_66] : memref<20480xf32, #tpu.memory_space<hbm>> -> memref<640xf32, #tpu.memory_space<hbm>>
      tpu.wait_dma2 semaphore(%run_scoped3A : memref<!tpu.dma_semaphore, #tpu.memory_space<semaphore_mem>>) src(%arg16 : memref<640xf32, #tpu.memory_space<vmem>>) dst(%dma_wait3A_69 : memref<640xf32, #tpu.memory_space<hbm>>)
      tpu.yield
    }) : () -> ()
    %barrier3A_67 = arith.constant 0 : index
    tpu.barrier barrier_id(%barrier3A_67)
    return
  }
}

module attributes {stable_mosaic.version = 14 : i64} {
  func.func @body(%arg0: i32, %arg1: memref<2x2000x128xf32, #tpu.memory_space<vmem>>, %arg2: memref<2x2000x1xf32, #tpu.memory_space<vmem>>, %arg3: memref<2000x128xf32, #tpu.memory_space<vmem>>, %arg4: memref<128x128xf32, #tpu.memory_space<vmem>>, %arg5: memref<1x128xf32, #tpu.memory_space<vmem>>, %arg6: memref<128x128xf32, #tpu.memory_space<vmem>>, %arg7: memref<2000x128xf32, #tpu.memory_space<vmem>>) attributes {dimension_semantics = [#tpu.dimension_semantics<arbitrary>], iteration_bounds = array<i64: 5>, scalar_prefetch = 0 : i64, scratch_operands = 0 : i64, tpu.core_type = #tpu.core_type<tc>, window_params = [{transform_indices = @transform_0, window_bounds = array<i64: 2, 2000, 128>}, {transform_indices = @transform_1, window_bounds = array<i64: 2, 2000, 1>}, {transform_indices = @transform_2, window_bounds = array<i64: 2000, 128>}, {pipeline_mode = #tpu.pipeline_mode<synchronous>, transform_indices = @transform_3, window_bounds = array<i64: 128, 128>}, {pipeline_mode = #tpu.pipeline_mode<synchronous>, transform_indices = @transform_4, window_bounds = array<i64: 1, 128>}, {pipeline_mode = #tpu.pipeline_mode<synchronous>, transform_indices = @transform_5, window_bounds = array<i64: 128, 128>}, {transform_indices = @transform_6, window_bounds = array<i64: 2000, 128>}]} {
    %get3A = arith.constant 0 : index
    %get3A_0 = arith.constant 0 : index
    %get3A_1 = arith.constant 0 : index
    %get3A_2 = vector.load %arg2[%get3A, %get3A_0, %get3A_1] : memref<2x2000x1xf32, #tpu.memory_space<vmem>>, vector<1x2000x1xf32>
    %get3A_3 = vector.shape_cast %get3A_2 : vector<1x2000x1xf32> to vector<2000x1xf32>
    %get3A_4 = arith.constant 1 : index
    %get3A_5 = arith.constant 0 : index
    %get3A_6 = arith.constant 0 : index
    %get3A_7 = vector.load %arg2[%get3A_4, %get3A_5, %get3A_6] : memref<2x2000x1xf32, #tpu.memory_space<vmem>>, vector<1x2000x1xf32>
    %get3A_8 = vector.shape_cast %get3A_7 : vector<1x2000x1xf32> to vector<2000x1xf32>
    %add3A = arith.addf %get3A_3, %get3A_8 : vector<2000x1xf32>
    %max3A = arith.constant 1.000000e+00 : f32
    %max3A_9 = vector.broadcast %max3A : f32 to vector<2000x1xf32>
    %max3A_10 = arith.maximumf %add3A, %max3A_9 : vector<2000x1xf32>
    %get3A_11 = arith.constant 0 : index
    %get3A_12 = arith.constant 0 : index
    %get3A_13 = arith.constant 0 : index
    %get3A_14 = vector.load %arg1[%get3A_11, %get3A_12, %get3A_13] : memref<2x2000x128xf32, #tpu.memory_space<vmem>>, vector<1x2000x128xf32>
    %get3A_15 = vector.shape_cast %get3A_14 : vector<1x2000x128xf32> to vector<2000x128xf32>
    %get3A_16 = arith.constant 1 : index
    %get3A_17 = arith.constant 0 : index
    %get3A_18 = arith.constant 0 : index
    %get3A_19 = vector.load %arg1[%get3A_16, %get3A_17, %get3A_18] : memref<2x2000x128xf32, #tpu.memory_space<vmem>>, vector<1x2000x128xf32>
    %get3A_20 = vector.shape_cast %get3A_19 : vector<1x2000x128xf32> to vector<2000x128xf32>
    %add3A_21 = arith.addf %get3A_15, %get3A_20 : vector<2000x128xf32>
    %div3A = vector.broadcast %max3A_10 : vector<2000x1xf32> to vector<2000x128xf32>
    %div3A_22 = arith.divf %add3A_21, %div3A : vector<2000x128xf32>
    %get3A_23 = arith.constant 0 : index
    %get3A_24 = arith.constant 0 : index
    %get3A_25 = vector.load %arg4[%get3A_23, %get3A_24] : memref<128x128xf32, #tpu.memory_space<vmem>>, vector<128x128xf32>
    %dot_general3A = arith.constant dense<0.000000e+00> : vector<2000x128xf32>
    %dot_general3A_26 = tpu.matmul %div3A_22, %get3A_25, %dot_general3A {dimension_numbers = #tpu.dot_dimension_numbers<[1], [1], [0], [0], [0, 0, 1, 0], [], []>, precision = #tpu.contract_precision<fp32>, transpose_lhs_hint = false} : vector<2000x128xf32>, vector<128x128xf32>, vector<2000x128xf32> -> vector<2000x128xf32>
    %get3A_27 = arith.constant 0 : index
    %get3A_28 = arith.constant 0 : index
    %get3A_29 = vector.load %arg5[%get3A_27, %get3A_28] : memref<1x128xf32, #tpu.memory_space<vmem>>, vector<1x128xf32>
    %add3A_30 = vector.broadcast %get3A_29 : vector<1x128xf32> to vector<2000x128xf32>
    %add3A_31 = arith.addf %dot_general3A_26, %add3A_30 : vector<2000x128xf32>
    %get3A_32 = arith.constant 0 : index
    %get3A_33 = arith.constant 0 : index
    %get3A_34 = vector.load %arg3[%get3A_32, %get3A_33] : memref<2000x128xf32, #tpu.memory_space<vmem>>, vector<2000x128xf32>
    %get3A_35 = arith.constant 0 : index
    %get3A_36 = arith.constant 0 : index
    %get3A_37 = vector.load %arg6[%get3A_35, %get3A_36] : memref<128x128xf32, #tpu.memory_space<vmem>>, vector<128x128xf32>
    %dot_general3A_38 = arith.constant dense<0.000000e+00> : vector<2000x128xf32>
    %dot_general3A_39 = tpu.matmul %get3A_34, %get3A_37, %dot_general3A_38 {dimension_numbers = #tpu.dot_dimension_numbers<[1], [1], [0], [0], [0, 0, 1, 0], [], []>, precision = #tpu.contract_precision<fp32>, transpose_lhs_hint = false} : vector<2000x128xf32>, vector<128x128xf32>, vector<2000x128xf32> -> vector<2000x128xf32>
    %add3A_40 = arith.addf %add3A_31, %dot_general3A_39 : vector<2000x128xf32>
    %max3A_41 = arith.constant 0.000000e+00 : f32
    %max3A_42 = vector.broadcast %max3A_41 : f32 to vector<2000x128xf32>
    %max3A_43 = arith.maximumf %add3A_40, %max3A_42 : vector<2000x128xf32>
    %swap3A = arith.constant 0 : index
    %swap3A_44 = arith.constant 0 : index
    %swap3A_45 = vector.load %arg7[%swap3A, %swap3A_44] : memref<2000x128xf32, #tpu.memory_space<vmem>>, vector<2000x128xf32>
    tpu.vector_store %arg7[%swap3A, %swap3A_44], %max3A_43 {strides = array<i32>} : memref<2000x128xf32, #tpu.memory_space<vmem>>, vector<2000x128xf32>,
    return
  }
  func.func @transform_0(%arg0: i32) -> (i32, i32, i32) {
    %c0_i32 = arith.constant 0 : i32
    %c0_i32_0 = arith.constant 0 : i32
    %c0_i32_1 = arith.constant 0 : i32
    return %c0_i32, %arg0, %c0_i32_0 : i32, i32, i32
  }
  func.func @transform_1(%arg0: i32) -> (i32, i32, i32) {
    %c0_i32 = arith.constant 0 : i32
    %c0_i32_0 = arith.constant 0 : i32
    %c0_i32_1 = arith.constant 0 : i32
    return %c0_i32, %arg0, %c0_i32_0 : i32, i32, i32
  }
  func.func @transform_2(%arg0: i32) -> (i32, i32) {
    %c0_i32 = arith.constant 0 : i32
    %c0_i32_0 = arith.constant 0 : i32
    return %arg0, %c0_i32 : i32, i32
  }
  func.func @transform_3(%arg0: i32) -> (i32, i32) {
    %c0_i32 = arith.constant 0 : i32
    %c0_i32_0 = arith.constant 0 : i32
    %c0_i32_1 = arith.constant 0 : i32
    return %c0_i32, %c0_i32_0 : i32, i32
  }
  func.func @transform_4(%arg0: i32) -> (i32, i32) {
    %c0_i32 = arith.constant 0 : i32
    %c0_i32_0 = arith.constant 0 : i32
    %c0_i32_1 = arith.constant 0 : i32
    return %c0_i32, %c0_i32_0 : i32, i32
  }
  func.func @transform_5(%arg0: i32) -> (i32, i32) {
    %c0_i32 = arith.constant 0 : i32
    %c0_i32_0 = arith.constant 0 : i32
    %c0_i32_1 = arith.constant 0 : i32
    return %c0_i32, %c0_i32_0 : i32, i32
  }
  func.func @transform_6(%arg0: i32) -> (i32, i32) {
    %c0_i32 = arith.constant 0 : i32
    %c0_i32_0 = arith.constant 0 : i32
    return %arg0, %c0_i32 : i32, i32
  }
}

module attributes {stable_mosaic.version = 14 : i64} {
  func.func @body(%arg0: i32, %arg1: memref<2x2000x128xf32, #tpu.memory_space<vmem>>, %arg2: memref<2x2000x1xf32, #tpu.memory_space<vmem>>, %arg3: memref<2000x128xf32, #tpu.memory_space<vmem>>, %arg4: memref<64x128xf32, #tpu.memory_space<vmem>>, %arg5: memref<1x64xf32, #tpu.memory_space<vmem>>, %arg6: memref<64x128xf32, #tpu.memory_space<vmem>>, %arg7: memref<64x128xf32, #tpu.memory_space<vmem>>, %arg8: memref<1x64xf32, #tpu.memory_space<vmem>>, %arg9: memref<64x128xf32, #tpu.memory_space<vmem>>, %arg10: memref<2000x64xf32, #tpu.memory_space<vmem>>, %arg11: memref<2000x64xf32, #tpu.memory_space<vmem>>) attributes {dimension_semantics = [#tpu.dimension_semantics<arbitrary>], iteration_bounds = array<i64: 5>, scalar_prefetch = 0 : i64, scratch_operands = 0 : i64, tpu.core_type = #tpu.core_type<tc>, window_params = [{transform_indices = @transform_0, window_bounds = array<i64: 2, 2000, 128>}, {transform_indices = @transform_1, window_bounds = array<i64: 2, 2000, 1>}, {transform_indices = @transform_2, window_bounds = array<i64: 2000, 128>}, {pipeline_mode = #tpu.pipeline_mode<synchronous>, transform_indices = @transform_3, window_bounds = array<i64: 64, 128>}, {pipeline_mode = #tpu.pipeline_mode<synchronous>, transform_indices = @transform_4, window_bounds = array<i64: 1, 64>}, {pipeline_mode = #tpu.pipeline_mode<synchronous>, transform_indices = @transform_5, window_bounds = array<i64: 64, 128>}, {pipeline_mode = #tpu.pipeline_mode<synchronous>, transform_indices = @transform_6, window_bounds = array<i64: 64, 128>}, {pipeline_mode = #tpu.pipeline_mode<synchronous>, transform_indices = @transform_7, window_bounds = array<i64: 1, 64>}, {pipeline_mode = #tpu.pipeline_mode<synchronous>, transform_indices = @transform_8, window_bounds = array<i64: 64, 128>}, {transform_indices = @transform_9, window_bounds = array<i64: 2000, 64>}, {transform_indices = @transform_10, window_bounds = array<i64: 2000, 64>}]} {
    %get3A = arith.constant 0 : index
    %get3A_0 = arith.constant 0 : index
    %get3A_1 = arith.constant 0 : index
    %get3A_2 = vector.load %arg2[%get3A, %get3A_0, %get3A_1] : memref<2x2000x1xf32, #tpu.memory_space<vmem>>, vector<1x2000x1xf32>
    %get3A_3 = vector.shape_cast %get3A_2 : vector<1x2000x1xf32> to vector<2000x1xf32>
    %get3A_4 = arith.constant 1 : index
    %get3A_5 = arith.constant 0 : index
    %get3A_6 = arith.constant 0 : index
    %get3A_7 = vector.load %arg2[%get3A_4, %get3A_5, %get3A_6] : memref<2x2000x1xf32, #tpu.memory_space<vmem>>, vector<1x2000x1xf32>
    %get3A_8 = vector.shape_cast %get3A_7 : vector<1x2000x1xf32> to vector<2000x1xf32>
    %add3A = arith.addf %get3A_3, %get3A_8 : vector<2000x1xf32>
    %max3A = arith.constant 1.000000e+00 : f32
    %max3A_9 = vector.broadcast %max3A : f32 to vector<2000x1xf32>
    %max3A_10 = arith.maximumf %add3A, %max3A_9 : vector<2000x1xf32>
    %get3A_11 = arith.constant 0 : index
    %get3A_12 = arith.constant 0 : index
    %get3A_13 = arith.constant 0 : index
    %get3A_14 = vector.load %arg1[%get3A_11, %get3A_12, %get3A_13] : memref<2x2000x128xf32, #tpu.memory_space<vmem>>, vector<1x2000x128xf32>
    %get3A_15 = vector.shape_cast %get3A_14 : vector<1x2000x128xf32> to vector<2000x128xf32>
    %get3A_16 = arith.constant 1 : index
    %get3A_17 = arith.constant 0 : index
    %get3A_18 = arith.constant 0 : index
    %get3A_19 = vector.load %arg1[%get3A_16, %get3A_17, %get3A_18] : memref<2x2000x128xf32, #tpu.memory_space<vmem>>, vector<1x2000x128xf32>
    %get3A_20 = vector.shape_cast %get3A_19 : vector<1x2000x128xf32> to vector<2000x128xf32>
    %add3A_21 = arith.addf %get3A_15, %get3A_20 : vector<2000x128xf32>
    %div3A = vector.broadcast %max3A_10 : vector<2000x1xf32> to vector<2000x128xf32>
    %div3A_22 = arith.divf %add3A_21, %div3A : vector<2000x128xf32>
    %get3A_23 = arith.constant 0 : index
    %get3A_24 = arith.constant 0 : index
    %get3A_25 = vector.load %arg3[%get3A_23, %get3A_24] : memref<2000x128xf32, #tpu.memory_space<vmem>>, vector<2000x128xf32>
    %get3A_26 = arith.constant 0 : index
    %get3A_27 = arith.constant 0 : index
    %get3A_28 = vector.load %arg4[%get3A_26, %get3A_27] : memref<64x128xf32, #tpu.memory_space<vmem>>, vector<64x128xf32>
    %dot_general3A = arith.constant dense<0.000000e+00> : vector<2000x64xf32>
    %dot_general3A_29 = tpu.matmul %div3A_22, %get3A_28, %dot_general3A {dimension_numbers = #tpu.dot_dimension_numbers<[1], [1], [0], [0], [0, 0, 1, 0], [], []>, precision = #tpu.contract_precision<fp32>, transpose_lhs_hint = false} : vector<2000x128xf32>, vector<64x128xf32>, vector<2000x64xf32> -> vector<2000x64xf32>
    %get3A_30 = arith.constant 0 : index
    %get3A_31 = arith.constant 0 : index
    %get3A_32 = vector.load %arg5[%get3A_30, %get3A_31] : memref<1x64xf32, #tpu.memory_space<vmem>>, vector<1x64xf32>
    %add3A_33 = vector.broadcast %get3A_32 : vector<1x64xf32> to vector<2000x64xf32>
    %add3A_34 = arith.addf %dot_general3A_29, %add3A_33 : vector<2000x64xf32>
    %get3A_35 = arith.constant 0 : index
    %get3A_36 = arith.constant 0 : index
    %get3A_37 = vector.load %arg6[%get3A_35, %get3A_36] : memref<64x128xf32, #tpu.memory_space<vmem>>, vector<64x128xf32>
    %dot_general3A_38 = arith.constant dense<0.000000e+00> : vector<2000x64xf32>
    %dot_general3A_39 = tpu.matmul %get3A_25, %get3A_37, %dot_general3A_38 {dimension_numbers = #tpu.dot_dimension_numbers<[1], [1], [0], [0], [0, 0, 1, 0], [], []>, precision = #tpu.contract_precision<fp32>, transpose_lhs_hint = false} : vector<2000x128xf32>, vector<64x128xf32>, vector<2000x64xf32> -> vector<2000x64xf32>
    %add3A_40 = arith.addf %add3A_34, %dot_general3A_39 : vector<2000x64xf32>
    %swap3A = arith.constant 0 : index
    %swap3A_41 = arith.constant 0 : index
    %swap3A_42 = vector.load %arg10[%swap3A, %swap3A_41] : memref<2000x64xf32, #tpu.memory_space<vmem>>, vector<2000x64xf32>
    tpu.vector_store %arg10[%swap3A, %swap3A_41], %add3A_40 {strides = array<i32>} : memref<2000x64xf32, #tpu.memory_space<vmem>>, vector<2000x64xf32>,
    %get3A_43 = arith.constant 0 : index
    %get3A_44 = arith.constant 0 : index
    %get3A_45 = vector.load %arg7[%get3A_43, %get3A_44] : memref<64x128xf32, #tpu.memory_space<vmem>>, vector<64x128xf32>
    %dot_general3A_46 = arith.constant dense<0.000000e+00> : vector<2000x64xf32>
    %dot_general3A_47 = tpu.matmul %div3A_22, %get3A_45, %dot_general3A_46 {dimension_numbers = #tpu.dot_dimension_numbers<[1], [1], [0], [0], [0, 0, 1, 0], [], []>, precision = #tpu.contract_precision<fp32>, transpose_lhs_hint = false} : vector<2000x128xf32>, vector<64x128xf32>, vector<2000x64xf32> -> vector<2000x64xf32>
    %get3A_48 = arith.constant 0 : index
    %get3A_49 = arith.constant 0 : index
    %get3A_50 = vector.load %arg8[%get3A_48, %get3A_49] : memref<1x64xf32, #tpu.memory_space<vmem>>, vector<1x64xf32>
    %add3A_51 = vector.broadcast %get3A_50 : vector<1x64xf32> to vector<2000x64xf32>
    %add3A_52 = arith.addf %dot_general3A_47, %add3A_51 : vector<2000x64xf32>
    %get3A_53 = arith.constant 0 : index
    %get3A_54 = arith.constant 0 : index
    %get3A_55 = vector.load %arg9[%get3A_53, %get3A_54] : memref<64x128xf32, #tpu.memory_space<vmem>>, vector<64x128xf32>
    %dot_general3A_56 = arith.constant dense<0.000000e+00> : vector<2000x64xf32>
    %dot_general3A_57 = tpu.matmul %get3A_25, %get3A_55, %dot_general3A_56 {dimension_numbers = #tpu.dot_dimension_numbers<[1], [1], [0], [0], [0, 0, 1, 0], [], []>, precision = #tpu.contract_precision<fp32>, transpose_lhs_hint = false} : vector<2000x128xf32>, vector<64x128xf32>, vector<2000x64xf32> -> vector<2000x64xf32>
    %add3A_58 = arith.addf %add3A_52, %dot_general3A_57 : vector<2000x64xf32>
    %swap3A_59 = arith.constant 0 : index
    %swap3A_60 = arith.constant 0 : index
    %swap3A_61 = vector.load %arg11[%swap3A_59, %swap3A_60] : memref<2000x64xf32, #tpu.memory_space<vmem>>, vector<2000x64xf32>
    tpu.vector_store %arg11[%swap3A_59, %swap3A_60], %add3A_58 {strides = array<i32>} : memref<2000x64xf32, #tpu.memory_space<vmem>>, vector<2000x64xf32>,
    return
  }
  func.func @transform_0(%arg0: i32) -> (i32, i32, i32) {
    %c0_i32 = arith.constant 0 : i32
    %c0_i32_0 = arith.constant 0 : i32
    %c0_i32_1 = arith.constant 0 : i32
    return %c0_i32, %arg0, %c0_i32_0 : i32, i32, i32
  }
  func.func @transform_1(%arg0: i32) -> (i32, i32, i32) {
    %c0_i32 = arith.constant 0 : i32
    %c0_i32_0 = arith.constant 0 : i32
    %c0_i32_1 = arith.constant 0 : i32
    return %c0_i32, %arg0, %c0_i32_0 : i32, i32, i32
  }
  func.func @transform_2(%arg0: i32) -> (i32, i32) {
    %c0_i32 = arith.constant 0 : i32
    %c0_i32_0 = arith.constant 0 : i32
    return %arg0, %c0_i32 : i32, i32
  }
  func.func @transform_3(%arg0: i32) -> (i32, i32) {
    %c0_i32 = arith.constant 0 : i32
    %c0_i32_0 = arith.constant 0 : i32
    %c0_i32_1 = arith.constant 0 : i32
    return %c0_i32, %c0_i32_0 : i32, i32
  }
  func.func @transform_4(%arg0: i32) -> (i32, i32) {
    %c0_i32 = arith.constant 0 : i32
    %c0_i32_0 = arith.constant 0 : i32
    %c0_i32_1 = arith.constant 0 : i32
    return %c0_i32, %c0_i32_0 : i32, i32
  }
  func.func @transform_5(%arg0: i32) -> (i32, i32) {
    %c0_i32 = arith.constant 0 : i32
    %c0_i32_0 = arith.constant 0 : i32
    %c0_i32_1 = arith.constant 0 : i32
    return %c0_i32, %c0_i32_0 : i32, i32
  }
  func.func @transform_6(%arg0: i32) -> (i32, i32) {
    %c0_i32 = arith.constant 0 : i32
    %c0_i32_0 = arith.constant 0 : i32
    %c0_i32_1 = arith.constant 0 : i32
    return %c0_i32, %c0_i32_0 : i32, i32
  }
  func.func @transform_7(%arg0: i32) -> (i32, i32) {
    %c0_i32 = arith.constant 0 : i32
    %c0_i32_0 = arith.constant 0 : i32
    %c0_i32_1 = arith.constant 0 : i32
    return %c0_i32, %c0_i32_0 : i32, i32
  }
  func.func @transform_8(%arg0: i32) -> (i32, i32) {
    %c0_i32 = arith.constant 0 : i32
    %c0_i32_0 = arith.constant 0 : i32
    %c0_i32_1 = arith.constant 0 : i32
    return %c0_i32, %c0_i32_0 : i32, i32
  }
  func.func @transform_9(%arg0: i32) -> (i32, i32) {
    %c0_i32 = arith.constant 0 : i32
    %c0_i32_0 = arith.constant 0 : i32
    return %arg0, %c0_i32 : i32, i32
  }
  func.func @transform_10(%arg0: i32) -> (i32, i32) {
    %c0_i32 = arith.constant 0 : i32
    %c0_i32_0 = arith.constant 0 : i32
    return %arg0, %c0_i32 : i32, i32
  }
}

</mosaic_0001>

<sc_bundles>
// kernel: kernel.6.cloned.1.call-start
scs
__scs_entry_jumppad:
0x0: {  	(pc) =	sbr.rel $0x88, $3  }
0x1: {  	(tag) =	ssettag $0x0;
	lr =	simm.s32 $0x1  }
0x2: {  	[smem:$0x3F96] =	sst lr;
	_ =	strace $0xD0000000  }
0x3: {  	_ = 	snop  }
0x4: {  	_ = 	snop  }
0x5: {  	_ = 	snop  }
0x6: {  	_ = 	snop  }
0x7: {  	_ = 	snop  }
__scs_overlays_trampoline_lowered:
0x8: {  	[smem:$0x3FA5] =	sst s0  }
0x9: {  	[smem:$0x3FA6] =	sst s1  }
0xa: {  	[smem:$0x3FA7] =	sst s2  }
0xb: {  	[smem:$0x3FA8] =	sst s3  }
0xc: {  	[smem:$0x3FA9] =	sst s4  }
0xd: {  	[smem:$0x3FAA] =	sst s5  }
0xe: {  	[smem:$0x3FAB] =	sst s6  }
0xf: {  	[smem:$0x3FAC] =	sst s7  }
0x10: {  	[smem:$0x3FAD] =	sst s8  }
0x11: {  	[smem:$0x3FAE] =	sst s9;
	s0 =	simm.s32 @!p0 $0x0  }
0x12: {  	s1 =	sld [smem:$0x3F94];
	s0 =	simm.s32 @p0 $0x1  }
0x13: {  	[smem:$0x3FAF] =	sst s0;
	s0 =	simm.s32 @!p1 $0x0  }
0x14: {  	s2 =	sld [smem:$0x3F93];
	s0 =	simm.s32 @p1 $0x1  }
0x15: {  	[smem:$0x3FB0] =	sst s0;
	s0 =	simm.s32 @!p2 $0x0  }
0x16: {  	s3 =	sld [smem:$0x3FDB];
	s0 =	simm.s32 @p2 $0x1  }
0x17: {  	s4 =	simm.s32 $0x1BF5;
	[smem:$0x3FB2] =	sst s0  }
0x18: {  	s0 =	sld [smem:$0x3F95];
	_ =	swait.ge [sflag:s4], $0x0  }
0x19: {  	s7 =	sld [smem:$0x3F96]  }
0x1a: {  	s8 =	sadd.s32 $0xFFFFE003, lr  }
0x1b: {  	s9 =	sadd.s32 $0xFFFFFEF7, lr;
	s5 =	simm.s32 $0xFFFFFFFF;
	p2 =	slt.u32 s8, $0xFFFFF086  }
0x1c: {  	p1 =	slt.u32 s9, $0xF7A;
	s5 =	simm.s32 @!p2 $0x0  }
0x1d: {  	s5 =	simm.s32 @p1 $0x1;
	p0 =	seq.s32 s7, s2  }
0x1e: {  	s7 =	smul.u32 @!p0 $0xF7A, s2;
	p2 =	seq.s32 @!p0 s5, $0x0  }
0x1f: {  	s9 =	smul.u32 $0xF7A, s1;
	s8 =	simm.s32 @!p0 $0x1BF5;
	p2 =	por !p2, p0  }
0x20: {  	[sflag:s8] =	ssyncset.s32 @!p0 $0xFFFFF086;
	s6 =	sadd.s32 @!p0 s3, s7;
	s7 =	simm.s32 @!p0 $0x108  }
0x21: {  	s3 =	sadd.s32 s3, s9;
	s6 =	sadd.s32 @!p0 $0x88, s6;
	s7 =	simm.s32 @p2 $0x1082  }
0x22: {  	[simem:s7], [sflag:s8] =	dma.local @!p0 [hbm:s6], $0xF7A  }
0x23: {  	s9 =	sor.u32 $0xD0000000, s2;
	s6 =	simm.s32 $0x108;
	_ =	swait.ge @!p0 [sflag:s8], $0x0  }
0x24: {  	s3 =	sadd.s32 $0x88, s3;
	s6 =	simm.s32 @!p1 $0x1082;
	[sflag:s4] =	ssyncset.s32 $0xFFFFF086  }
0x25: {  	[simem:s6], [sflag:s4] =	dma.local [hbm:s3], $0xF7A  }
0x26: {  	[smem:$0x3F96] =	sst s1;
	(tag) =	ssettag s2;
	_ =	strace s9  }
0x27: {  	s1 =	sld [smem:$0x3FA6]  }
0x28: {  	s2 =	sld [smem:$0x3FA7]  }
0x29: {  	s4 =	sld [smem:$0x3FA9]  }
0x2a: {  	p0 =	seq.s32 s5, $0x0;
	s5 =	sld [smem:$0x3FAA]  }
0x2b: {  	s6 =	sld [smem:$0x3FAB]  }
0x2c: {  	s7 =	sld [smem:$0x3FAC]  }
0x2d: {  	s3 =	simm.s32 $0x108;
	s8 =	sld [smem:$0x3FAD]  }
0x2e: {  	s3 =	simm.s32 @!p0 $0x1082;
	s9 =	sld [smem:$0x3FAE]  }
0x2f: {  	lr =	sadd.s32 s0, s3;
	s0 =	sld [smem:$0x3FA5]  }
0x30: {  	s3 =	sld [smem:$0x3FA8]  }
0x31: {  	[smem:$0x3FB1] =	sst s10  }
0x32: {  	s10 =	sld [smem:$0x3FAF];
	_ =	sdelay $0x3  }
0x33: {  	p0 =	seq.s32 s10, $0x1;
	s10 =	sld [smem:$0x3FB1];
	_ =	sdelay $0x3  }
0x34: {  	[smem:$0x3FB1] =	sst s10  }
0x35: {  	s10 =	sld [smem:$0x3FB0];
	_ =	sdelay $0x3  }
0x36: {  	p1 =	seq.s32 s10, $0x1;
	s10 =	sld [smem:$0x3FB1];
	_ =	sdelay $0x3  }
0x37: {  	[smem:$0x3FB1] =	sst s10  }
0x38: {  	s10 =	sld [smem:$0x3FB2]  }
0x39: {  	_ = 	snop;
	(pc) =	sbr.ind lr, $3  }
0x3a: {  	_ = 	snop  }
0x3b: {  	_ = 	snop  }
0x3c: {  	p2 =	seq.s32 s10, $0x1;
	s10 =	sld [smem:$0x3FB1]  }
0x3d: {  	_ =	shalt  }
0x3e: {  	_ =	shalt  }
0x3f: {  	_ =	shalt  }
0x40: {  	_ =	shalt  }
0x41: {  	_ =	shalt  }
0x42: {  	_ =	shalt  }
0x43: {  	_ =	shalt  }
0x44: {  	_ =	shalt  }
0x45: {  	_ =	shalt  }
0x46: {  	_ =	shalt  }
0x47: {  	_ =	shalt  }
0x48: {  	_ =	shalt  }
0x49: {  	_ =	shalt  }
0x4a: {  	_ =	shalt  }
0x4b: {  	_ =	shalt  }
0x4c: {  	_ =	shalt  }
0x4d: {  	_ =	shalt  }
0x4e: {  	_ =	shalt  }
0x4f: {  	_ =	shalt  }
0x50: {  	_ =	shalt  }
0x51: {  	_ =	shalt  }
0x52: {  	_ =	shalt  }
0x53: {  	_ =	shalt  }
0x54: {  	_ =	shalt  }
0x55: {  	_ =	shalt  }
0x56: {  	_ =	shalt  }
0x57: {  	_ =	shalt  }
0x58: {  	_ =	shalt  }
0x59: {  	_ =	shalt  }
0x5a: {  	_ =	shalt  }
0x5b: {  	_ =	shalt  }
0x5c: {  	_ =	shalt  }
0x5d: {  	_ =	shalt  }
0x5e: {  	_ =	shalt  }
0x5f: {  	_ =	shalt  }
0x60: {  	_ =	shalt  }
0x61: {  	_ =	shalt  }
0x62: {  	_ =	shalt  }
0x63: {  	_ =	shalt  }
0x64: {  	_ =	shalt  }
0x65: {  	_ =	shalt  }
0x66: {  	_ =	shalt  }
0x67: {  	_ =	shalt  }
0x68: {  	_ =	shalt  }
0x69: {  	_ =	shalt  }
0x6a: {  	_ =	shalt  }
0x6b: {  	_ =	shalt  }
0x6c: {  	_ =	shalt  }
0x6d: {  	_ =	shalt  }
0x6e: {  	_ =	shalt  }
0x6f: {  	_ =	shalt  }
0x70: {  	_ =	shalt  }
0x71: {  	_ =	shalt  }
0x72: {  	_ =	shalt  }
0x73: {  	_ =	shalt  }
0x74: {  	_ =	shalt  }
0x75: {  	_ =	shalt  }
0x76: {  	_ =	shalt  }
0x77: {  	_ =	shalt  }
0x78: {  	_ =	shalt  }
0x79: {  	_ =	shalt  }
0x7a: {  	_ =	shalt  }
0x7b: {  	_ =	shalt  }
0x7c: {  	_ =	shalt  }
0x7d: {  	_ =	shalt  }
0x7e: {  	_ =	shalt  }
0x7f: {  	_ =	shalt  }
0x80: {  	_ =	shalt  }
0x81: {  	_ =	shalt  }
0x82: {  	_ =	shalt  }
0x83: {  	_ =	shalt  }
0x84: {  	_ =	shalt  }
0x85: {  	_ =	shalt  }
0x86: {  	_ =	shalt  }
0x87: {  	_ =	shalt  }
.Lfunc_end0:
.L_simem_size_0:
called_computation_lowered:
.L_overlay_start_0:
0x88: {  	s2 =	sld [smem:$0x3FD9]  }
0x89: {  	s3 =	sld [smem:$0x3FFE];
	_ =	sdelay $0x1  }
0x8a: {  	s1 =	srdreg.scid  }
0x8b: {  	s0 =	sand.u32 $0x1, s1  }
0x8c: {  	s14 =	sshll.u32 s0, $0xA;
	s2 =	sadd.s32 s3, s2  }
0x8d: {  	s2 =	sadd.s32 s2, s14  }
0x8e: {  	[smem:$0x3FBD] =	sst s2  }
0x8f: {  	_ = 	snop  }
0x90: {  	s2 =	sld [smem:$0x3FD0];
	_ =	sdelay $0x2  }
0x91: {  	s4 =	simm.s32 $0xA;
	s5 =	simm.s32 $0x10;
	s15 =	sld [smem:$0x3FC9]  }
0x92: {  	[smem:s5], [sflag:s4] =	dma.local [hbm:s2], $0x1  }
0x93: {  	_ =	swait.eq [sflag:s4], $0x1  }
0x94: {  	[sflag:s4] =	ssyncset.done $0x0  }
0x95: {  	s16 =	sld [smem:$0x10];
	[sflag:s4] =	ssyncadd.s32 $0xFFFFFFFF  }
0x96: {  	s17 =	sld [smem:$0x11];
	(tm) =	ssettm $0x1  }
0x97: {  	s18 =	sld [smem:$0x3FFB];
	_ =	sdelay $0x3  }
0x98: {  	_ =	strace s18  }
0x99: {  	s5 =	sld [smem:$0x3FFC];
	_ =	sdelay $0x3  }
0x9a: {  	_ =	strace s5  }
0x9b: {  	s5 =	sld [smem:$0x3FFD];
	_ =	sdelay $0x3  }
0x9c: {  	_ =	strace s5  }
0x9d: {  	_ =	strace $0x8FFFFFFF  }
0x9e: {  	s19 =	sld [smem:$0x3FDB];
	_ =	sdelay $0x1  }
0x9f: {  	s6 =	simm.s32 $_scs_section_size  }
0xa0: {  	s7 =	simm.s32 $_size__tile_overlayer_lowered;
	s8 =	simm.s32 $_tile_overlayer_lowered  }
0xa1: {  	s22 =	simm.s32 $0x1BFF;
	s21 =	sshll.u32 s8, $0x1;
	s5 =	sadd.s32 s6, s19  }
0xa2: {  	s9 =	simm.s32 $0x0;
	s20 =	sshll.u32 s7, $0x1;
	s7 =	sadd.s32 s21, s5  }
0xa3: {  	[timem:s9], [sflag:s22] =	dma.local [hbm:s7], s20  }
0xa4: {  	_ =	swait.ge [sflag:s22], s20  }
0xa5: {  	s6 =	ssub.s32 $0x0, s20;
	[sflag:s22] =	ssyncset.done $0x0  }
0xa6: {  	[sflag:s22] =	ssyncadd.s32 s6;
	_ =	sdelay $0x1  }
0xa7: {  	s23 =	simm.s32 $0x1B8B  }
0xa8: {  	_ =	swait.ge [sflag:s23], $0x1  }
0xa9: {  	[sflag:s23] =	ssyncset.done $0x0  }
0xaa: {  	s25 =	simm.s32 $0x1B8E;
	s24 =	sld [smem:$0x3FFE];
	[sflag:s23] =	ssyncadd.s32 $0xFFFFFFFF  }
0xab: {  	s26 =	simm.s32 $execute0_lowered;
	[smem:$0x3FD2] =	sst s25  }
0xac: {  	s7 =	sshll.u32 s26, $0x1;
	_ =	strace $0x80000046;
	[dreg:$0x1] =	wrdreg $0xFFFFFFFF  }
0xad: {  	s28 =	simm.s32 $_size_execute0_lowered;
	s5 =	sadd.s32 s5, s7;
	[dreg:$0x0] =	wrdreg $0x0  }
0xae: {  	s7 =	sshll.u32 s28, $0x1;
	[dreg:$0x2] =	wrdreg s5  }
0xaf: {  	[dreg:$0x3] =	wrdreg s7  }
0xb0: {  	[dreg:$0x4] =	wrdreg $0xC0  }
0xb1: {  	_ =	task [dreg:s9], $0x5FFFF  }
0xb2: {  	[dreg:$0x1] =	wrdreg $0xFFFFFFFF  }
0xb3: {  	[dreg:$0x0] =	wrdreg $0x60  }
0xb4: {  	[dreg:$0x2] =	wrdreg s15  }
0xb5: {  	[dreg:$0x3] =	wrdreg s17  }
0xb6: {  	[dreg:$0x4] =	wrdreg s16  }
0xb7: {  	[dreg:$0x5] =	wrdreg s24  }
0xb8: {  	[dreg:$0x6] =	wrdreg $0x0  }
0xb9: {  	[dreg:$0x7] =	wrdreg $0x17D000  }
0xba: {  	[dreg:$0x8] =	wrdreg $0x9  }
0xbb: {  	_ =	task.clear_ibuf [dreg:s9], $0x9FFFF;
	_ =	strace $0x90000046  }
0xbc: {  	s29 =	simm.s32 $0x9;
	_ =	strace $0x80000048  }
0xbd: {  	_ =	swait.ge [sflag:s29], $0x1  }
0xbe: {  	[sflag:s29] =	ssyncadd.s32 $0xFFFFFFFF  }
0xbf: {  	_ =	strace $0x90000048  }
0xc0: {  	_ =	sfence  }
0xc1: {  	s30 =	sld [smem:$0x0];
	_ =	sdelay $0x2  }
0xc2: {  	s31 =	sshll.u32 s1, $0xD;
	s1 =	sshrl.u32 s1, $0x2  }
0xc3: {  	s3 =	sand.u32 $0x4000, s31;
	s1 =	sadd.s32 s1, s30  }
0xc4: {  	s0 =	sor.u32 s3, s0;
	s1 =	sshll.u32 s1, $0x11  }
0xc5: {  	s0 =	sor.u32 s1, s0  }
0xc6: {  	s0 =	sadd.s32 $0x8F2B, s0  }
0xc7: {  	[sflag:s0] =	ssyncadd.remote.s32 $0x1  }
0xc8: {  	_ =	sfence.sel $0xFFFF  }
0xc9: {  	[dreg:$0x0] =	wrdreg $0xFFFFFFFF;
	(pc) =	sbr.abs _section_cstart, $3  }
0xca: {  	[dreg:$0x1] =	wrdreg $0xFFFFFFFF  }
0xcb: {  	_ =	task.clear_ibuf [dreg:s9], $0x2FFFF;
	_ =	strace $0x9FFFFFFF  }
0xcc: {  	(tm) =	ssettm $0x7FFFFFFF  }
0xcd: {  	_ =	shalt  }
tec
execute0_lowered:
.L_overlay_start_1:
0x0: {  	(tag) =	ssettag $0x1  }
0x1: {  	s0 =	rddreg [dreg:$0x0]  }
0x2: {  	s13 =	rddreg [dreg:$0x1]  }
0x3: {  	s14 =	rddreg [dreg:$0x2]  }
0x4: {  	s8 =	rddreg [dreg:$0x3]  }
0x5: {  	s2 =	srdreg.scid;
	s1 =	stileid.u32  }
0x6: {  	s3 =	rddreg [dreg:$0x4];
	s9 =	smul.u32 $0x2780, s1  }
0x7: {  	s4 =	rddreg [dreg:$0x5];
	s12 =	smul.u32 $0x280, s1  }
0x8: {  	s5 =	simm.s32 $0x0;
	s20 =	simm.s32 $0x80;
	s22 =	smul.u32 $0x4F000, s1  }
0x9: {  	s10 =	sand.u32 $0x1, s2;
	s2 =	rddreg [dreg:$0x6];
	s30 =	smul.u32 $0x4F0, s1  }
0xa: {  	[smem:$0x7FF] =	sst s5;
	s6 =	sadd.s32 $0x2E00, s8;
	s11 =	smul.u32 $0x27800, s10  }
0xb: {  	s7 =	sadd.s32 $0x2C00, s8;
	s29 =	sshll.u32 s1, $0x6;
	s15 =	smul.u32 $0x2800, s10  }
0xc: {  	_ =	strace $0x80000047;
	s24 =	ssub.s32 $0x2, s10;
	s19 =	smul.u32 $0x4F00, s10  }
0xd: {  	s25 =	sshrl.u32 s24, $0x1;
	s26 =	sshrl.u32 s22, $0x2;
	s22 =	simm.s32 $0x1  }
0xe: {  	s9 =	sadd.s32 s9, s11;
	s21 =	sadd.s32 s12, s15;
	s28 =	ssub.s32 s24, s25  }
0xf: {  	s18 =	sadd.s32 s26, s3;
	s14 =	sadd.s32 s19, s14;
	s31 =	sadd.s32 s19, s13  }
0x10: {  	s19 =	simm.s32 $0x13C80;
	s24 =	simm.s32 $0x0;
	s16 =	sadd.s32 s9, s8  }
0x11: {  	s23 =	sshrl.u32 s21, $0x3;
	s9 =	sadd.s32 s12, s4;
	s12 =	smax.u32 s28, $0x1  }
0x12: {  	s13 =	sadd.s32 s30, s14;
	s14 =	sadd.s32 s30, s31;
	s15 =	sshrl.u32 s18, $0x3  }
0x13: {  	s18 =	simm.s32 $0x13C00;
	s21 =	simm.s32 $0x13D00;
	s17 =	sadd.s32 s23, s8  }
0x14: {  	s8 =	sor.u32 $0x1C02, s29;
	s10 =	sadd.s32 $0x5600, s16;
	s16 =	simm.s32 $0x2  }
0x15: {  	v0 =	vimm.f32 $1.000000000e+00;
	s23 =	simm.s32 $0x17F80;
	s11 =	sadd.s32 $0x54600, s17;
	s17 =	simm.s32 $0x18000  }
.LBB2_1:
0x16: {  	[spmem:s15], [sflag:s8] =	dma.local [hbm:s6], $0x2780  }
0x17: {  	_ =	swait.ge [sflag:s16], $0x2780  }
0x18: {  	[sflag:s16] =	ssyncset.done $0x0  }
0x19: {  	[sflag:s16] =	ssyncadd.s32 $0xFFFFD880  }
0x1a: {  	[tilespmem:$0x17F80] =	vst v0  }
0x1b: {  	[tilespmem:$0x17F90] =	vst v0  }
0x1c: {  	[tilespmem:$0x17FA0] =	vst v0  }
0x1d: {  	[tilespmem:$0x17FB0] =	vst v0  }
0x1e: {  	[tilespmem:$0x17FC0] =	vst v0  }
0x1f: {  	[tilespmem:$0x17FD0] =	vst v0  }
0x20: {  	[tilespmem:$0x17FE0] =	vst v0  }
0x21: {  	[tilespmem:$0x17FF0] =	vst v0  }
0x22: {  	[tilespmem:s17], [sflag:$0x2] =	stream.linear.gather [hbm4b:s7+s5], $0x280, $0x38;
	[tilespmem:$0x18280] =	vst v63  }
0x23: {  	_ =	swait.ge [sflag:s16], $0x280  }
0x24: {  	[sflag:s16] =	ssyncset.done $0x0  }
0x25: {  	[sflag:s16] =	ssyncadd.s32 $0xFFFFFD80  }
0x26: {  	[spmem:s9] =	stream.linear.scatter [tilespmem:s17], [sflag:$0x2], $0x280, $0x38;
	[tilespmem:$0x18280] =	vst v63  }
0x27: {  	_ =	swait.ge [sflag:s16], $0x280  }
0x28: {  	[sflag:s16] =	ssyncset.done $0x0  }
0x29: {  	[sflag:s16] =	ssyncadd.s32 $0xFFFFFD80  }
0x2a: {  	s25 =	sadd.s32 $0x0, s14;
	[bflag:$0x0] =	sbarrier.arrive $0xFFFF  }
0x2b: {  	[tilespmem:s18], [sflag:$0x2] =	stream.linear.gather [hbm4b:s25+s5], $0x80, $0x38;
	[tilespmem:$0x18280] =	vst v63  }
0x2c: {  	_ =	swait.ge [sflag:s16], $0x80  }
0x2d: {  	[sflag:s16] =	ssyncset.done $0x0  }
0x2e: {  	s31 =	sadd.s32 $0x0, s13;
	[sflag:s16] =	ssyncadd.s32 $0xFFFFFF80  }
0x2f: {  	[tilespmem:s19], [sflag:$0x2] =	stream.linear.gather [hbm4b:s31+s5], $0x80, $0x38;
	[tilespmem:$0x18280] =	vst v63  }
0x30: {  	_ =	swait.ge [sflag:s16], $0x80  }
0x31: {  	[sflag:s16] =	ssyncset.done $0x0  }
0x32: {  	[sflag:s16] =	ssyncadd.s32 $0xFFFFFF80  }
0x33: {  	[tilespmem:s21], [sflag:$0x1] =	stream.indirect.gather [hbm4b:s0+s20], $0x80, s18, s20, $0xb8;
	[tilespmem:$0x18280] =	vst v63  }
0x34: {  	_ =	swait.ge [sflag:s22], $0x4000  }
0x35: {  	[sflag:s22] =	ssyncset.done $0x0  }
0x36: {  	[sflag:s22] =	ssyncadd.s32 $0xFFFFC000  }
0x37: {  	[spmem:s3] =	stream.indirect.scatter.add.f32 [tilespmem:s21], [sflag:$0x2], $0x80, s19, s20, $0xb8;
	[tilespmem:$0x18280] =	vst v63  }
0x38: {  	_ =	swait.ge [sflag:s16], $0x4000  }
0x39: {  	[sflag:s16] =	ssyncset.done $0x0  }
0x3a: {  	[sflag:s16] =	ssyncadd.s32 $0xFFFFC000  }
0x3b: {  	[spmem:s4] =	stream.indirect.scatter.add.f32 [tilespmem:s23], [sflag:$0x2], $0x1, s19, s20, $0xb8;
	[tilespmem:$0x18280] =	vst v63  }
0x3c: {  	_ =	swait.ge [sflag:s16], $0x80  }
0x3d: {  	s26 =	simm.s32 $0x20;
	s25 =	simm.s32 $0x10;
	[sflag:s16] =	ssyncset.done $0x0  }
.LBB2_2:
0x3e: {  	s28 =	sadd.s32 s25, s14  }
0x3f: {  	[sflag:s16] =	ssyncadd.s32 $0xFFFFFF80;
	s29 =	smov.u32 s26;
	s30 =	sadd.s32 $0x10, s26  }
0x40: {  	[tilespmem:s18], [sflag:$0x2] =	stream.linear.gather [hbm4b:s28+s5], $0x80, $0x38;
	[tilespmem:$0x18280] =	vst v63  }
0x41: {  	p0 =	sne.s32 s26, $0x4E0;
	_ =	swait.ge [sflag:s16], $0x80  }
0x42: {  	[sflag:s16] =	ssyncset.done $0x0  }
0x43: {  	s26 =	sadd.s32 s25, s13;
	s25 =	smov.u32 s29;
	[sflag:s16] =	ssyncadd.s32 $0xFFFFFF80  }
0x44: {  	[tilespmem:s19], [sflag:$0x2] =	stream.linear.gather [hbm4b:s26+s5], $0x80, $0x38;
	[tilespmem:$0x18280] =	vst v63  }
0x45: {  	_ =	swait.ge [sflag:s16], $0x80  }
0x46: {  	[sflag:s16] =	ssyncset.done $0x0  }
0x47: {  	[sflag:s16] =	ssyncadd.s32 $0xFFFFFF80  }
0x48: {  	[tilespmem:s21], [sflag:$0x1] =	stream.indirect.gather [hbm4b:s0+s20], $0x80, s18, s20, $0xb8;
	[tilespmem:$0x18280] =	vst v63  }
0x49: {  	_ =	swait.ge [sflag:s22], $0x4000  }
0x4a: {  	[sflag:s22] =	ssyncset.done $0x0  }
0x4b: {  	[sflag:s22] =	ssyncadd.s32 $0xFFFFC000  }
0x4c: {  	[spmem:s3] =	stream.indirect.scatter.add.f32 [tilespmem:s21], [sflag:$0x2], $0x80, s19, s20, $0xb8;
	[tilespmem:$0x18280] =	vst v63  }
0x4d: {  	_ =	swait.ge [sflag:s16], $0x4000  }
.Ltmp0:
0x4e: {  	[sflag:s16] =	ssyncset.done $0x0;
	(pc) =	sbr.rel @p0 .LBB2_2-.Ltmp0, $4  }
0x4f: {  	[sflag:s16] =	ssyncadd.s32 $0xFFFFC000  }
0x50: {  	[spmem:s4] =	stream.indirect.scatter.add.f32 [tilespmem:s23], [sflag:$0x2], $0x1, s19, s20, $0xb8;
	[tilespmem:$0x18280] =	vst v63  }
0x51: {  	_ =	swait.ge [sflag:s16], $0x80  }
0x52: {  	s26 =	smov.u32 s30;
	[sflag:s16] =	ssyncset.done $0x0  }
0x53: {  	s26 =	sadd.s32 s25, s14;
	[sflag:s16] =	ssyncadd.s32 $0xFFFFFF80  }
0x54: {  	[tilespmem:s18], [sflag:$0x2] =	stream.linear.gather [hbm4b:s26+s5], $0x80, $0x38;
	[tilespmem:$0x18280] =	vst v63  }
0x55: {  	_ =	swait.ge [sflag:s16], $0x80  }
0x56: {  	[sflag:s16] =	ssyncset.done $0x0  }
0x57: {  	s31 =	sadd.s32 s25, s13;
	[sflag:s16] =	ssyncadd.s32 $0xFFFFFF80  }
0x58: {  	[tilespmem:s19], [sflag:$0x2] =	stream.linear.gather [hbm4b:s31+s5], $0x80, $0x38;
	[tilespmem:$0x18280] =	vst v63  }
0x59: {  	_ =	swait.ge [sflag:s16], $0x80  }
0x5a: {  	[sflag:s16] =	ssyncset.done $0x0  }
0x5b: {  	[sflag:s16] =	ssyncadd.s32 $0xFFFFFF80  }
0x5c: {  	[tilespmem:s21], [sflag:$0x1] =	stream.indirect.gather [hbm4b:s0+s20], $0x80, s18, s20, $0xb8;
	[tilespmem:$0x18280] =	vst v63  }
0x5d: {  	_ =	swait.ge [sflag:s22], $0x4000  }
0x5e: {  	[sflag:s22] =	ssyncset.done $0x0  }
0x5f: {  	[sflag:s22] =	ssyncadd.s32 $0xFFFFC000  }
0x60: {  	[spmem:s3] =	stream.indirect.scatter.add.f32 [tilespmem:s21], [sflag:$0x2], $0x80, s19, s20, $0xb8;
	[tilespmem:$0x18280] =	vst v63  }
0x61: {  	_ =	swait.ge [sflag:s16], $0x4000  }
0x62: {  	[sflag:s16] =	ssyncset.done $0x0  }
0x63: {  	[sflag:s16] =	ssyncadd.s32 $0xFFFFC000  }
0x64: {  	[spmem:s4] =	stream.indirect.scatter.add.f32 [tilespmem:s23], [sflag:$0x2], $0x1, s19, s20, $0xb8;
	[tilespmem:$0x18280] =	vst v63  }
0x65: {  	_ =	swait.ge [sflag:s16], $0x80  }
0x66: {  	[sflag:s16] =	ssyncset.done $0x0  }
0x67: {  	[sflag:s16] =	ssyncadd.s32 $0xFFFFFF80  }
0x68: {  	[bflag:$0x0] =	sbarrier.arrive $0xFFFF  }
0x69: {  	[hbm:s10], [sflag:s8] =	dma.local [spmem:s15], $0x2780  }
0x6a: {  	_ =	swait.ge [sflag:s16], $0x2780  }
0x6b: {  	[sflag:s16] =	ssyncset.done $0x0  }
0x6c: {  	[sflag:s16] =	ssyncadd.s32 $0xFFFFD880  }
0x6d: {  	[tilespmem:s17], [sflag:$0x2] =	stream.linear.gather [spmem:s9], $0x280, $0x38;
	[tilespmem:$0x18280] =	vst v63  }
0x6e: {  	_ =	swait.ge [sflag:s16], $0x280  }
0x6f: {  	s24 =	sadd.s32 $0x1, s24;
	[sflag:s16] =	ssyncset.done $0x0  }
0x70: {  	p0 =	sne.s32 s24, s12;
	[sflag:s16] =	ssyncadd.s32 $0xFFFFFD80  }
0x71: {  	[hbm4b:s11+s5] =	stream.linear.scatter [tilespmem:s17], [sflag:$0x2], $0x280, $0x38;
	[tilespmem:$0x18280] =	vst v63  }
.Ltmp1:
0x72: {  	_ =	swait.ge [sflag:s16], $0x280;
	(pc) =	sbr.rel @p0 .LBB2_1-.Ltmp1, $3  }
0x73: {  	[sflag:s16] =	ssyncset.done $0x0  }
0x74: {  	[sflag:s16] =	ssyncadd.s32 $0xFFFFFD80  }
0x75: {  	[bflag:$0x0] =	sbarrier.arrive $0xFFFF;
	_ =	sdelay $0x1  }
0x76: {  	_ =	sfence.sel $0x180000  }
0x77: {  	[bflag:$0x0] =	sbarrier.arrive $0xFFFF  }
0x78: {  	p0 =	sne.s32 s1, $0x0;
	_ =	strace $0x90000047  }
0x79: {  	s0 =	sadd.s32 @!p0 $0x100000, s2;
	[bflag:$0x2] =	sbarrier.arrive $0xFFFF  }
0x7a: {  	[sflag:s0] =	ssyncadd.tile.s32 @!p0 $0x1;
	_ =	shalt  }
.Lfunc_end2:
_tile_overlayer_lowered:
.L_overlay_start_2:
0x7b: {  	(tag) =	ssettag $0x2  }
0x7c: {  	s0 =	rddreg [dreg:$0x0];
	s2 =	stileid.u32  }
0x7d: {  	s1 =	rddreg [dreg:$0x1];
	p0 =	sne.s32 s2, $0x0  }
0x7e: {  	s3 =	rddreg [dreg:$0x2];
	[bflag:$0x3] =	sbarrier.arrive $0xFFFF;
	s2 =	simm.s32 @!p0 $0x1C02  }
0x7f: {  	[timem:s3], [sflag:s2] =	dma.local @!p0 [hbm:s0], s1  }
0x80: {  	s0 =	simm.s32 @!p0 $0x2  }
0x81: {  	_ =	swait.ge @!p0 [sflag:s0], s1  }
0x82: {  	s1 =	ssub.s32 @!p0 $0x0, s1;
	[sflag:s0] =	ssyncset.done @!p0 $0x0  }
0x83: {  	[sflag:s0] =	ssyncadd.s32 @!p0 s1  }
0x84: {  	[bflag:$0x3] =	sbarrier.arrive $0xFFFF  }
0x85: {  	_ =	shalt  }

// kernel: kernel.9.cloned.1.call-start
scs
__scs_entry_jumppad:
0x0: {  	(pc) =	sbr.rel $0x88, $3  }
0x1: {  	(tag) =	ssettag $0x0;
	lr =	simm.s32 $0x1  }
0x2: {  	[smem:$0x3F96] =	sst lr;
	_ =	strace $0xD0000000  }
0x3: {  	_ = 	snop  }
0x4: {  	_ = 	snop  }
0x5: {  	_ = 	snop  }
0x6: {  	_ = 	snop  }
0x7: {  	_ = 	snop  }
__scs_overlays_trampoline_lowered:
0x8: {  	[smem:$0x3FA5] =	sst s0  }
0x9: {  	[smem:$0x3FA6] =	sst s1  }
0xa: {  	[smem:$0x3FA7] =	sst s2  }
0xb: {  	[smem:$0x3FA8] =	sst s3  }
0xc: {  	[smem:$0x3FA9] =	sst s4  }
0xd: {  	[smem:$0x3FAA] =	sst s5  }
0xe: {  	[smem:$0x3FAB] =	sst s6  }
0xf: {  	[smem:$0x3FAC] =	sst s7  }
0x10: {  	[smem:$0x3FAD] =	sst s8  }
0x11: {  	[smem:$0x3FAE] =	sst s9;
	s0 =	simm.s32 @!p0 $0x0  }
0x12: {  	s1 =	sld [smem:$0x3F94];
	s0 =	simm.s32 @p0 $0x1  }
0x13: {  	[smem:$0x3FAF] =	sst s0;
	s0 =	simm.s32 @!p1 $0x0  }
0x14: {  	s2 =	sld [smem:$0x3F93];
	s0 =	simm.s32 @p1 $0x1  }
0x15: {  	[smem:$0x3FB0] =	sst s0;
	s0 =	simm.s32 @!p2 $0x0  }
0x16: {  	s3 =	sld [smem:$0x3FDB];
	s0 =	simm.s32 @p2 $0x1  }
0x17: {  	s4 =	simm.s32 $0x1BF5;
	[smem:$0x3FB2] =	sst s0  }
0x18: {  	s0 =	sld [smem:$0x3F95];
	_ =	swait.ge [sflag:s4], $0x0  }
0x19: {  	s7 =	sld [smem:$0x3F96]  }
0x1a: {  	s8 =	sadd.s32 $0xFFFFE003, lr  }
0x1b: {  	s9 =	sadd.s32 $0xFFFFFEF7, lr;
	s5 =	simm.s32 $0xFFFFFFFF;
	p2 =	slt.u32 s8, $0xFFFFF086  }
0x1c: {  	p1 =	slt.u32 s9, $0xF7A;
	s5 =	simm.s32 @!p2 $0x0  }
0x1d: {  	s5 =	simm.s32 @p1 $0x1;
	p0 =	seq.s32 s7, s2  }
0x1e: {  	s7 =	smul.u32 @!p0 $0xF7A, s2;
	p2 =	seq.s32 @!p0 s5, $0x0  }
0x1f: {  	s9 =	smul.u32 $0xF7A, s1;
	s8 =	simm.s32 @!p0 $0x1BF5;
	p2 =	por !p2, p0  }
0x20: {  	[sflag:s8] =	ssyncset.s32 @!p0 $0xFFFFF086;
	s6 =	sadd.s32 @!p0 s3, s7;
	s7 =	simm.s32 @!p0 $0x108  }
0x21: {  	s3 =	sadd.s32 s3, s9;
	s6 =	sadd.s32 @!p0 $0x88, s6;
	s7 =	simm.s32 @p2 $0x1082  }
0x22: {  	[simem:s7], [sflag:s8] =	dma.local @!p0 [hbm:s6], $0xF7A  }
0x23: {  	s9 =	sor.u32 $0xD0000000, s2;
	s6 =	simm.s32 $0x108;
	_ =	swait.ge @!p0 [sflag:s8], $0x0  }
0x24: {  	s3 =	sadd.s32 $0x88, s3;
	s6 =	simm.s32 @!p1 $0x1082;
	[sflag:s4] =	ssyncset.s32 $0xFFFFF086  }
0x25: {  	[simem:s6], [sflag:s4] =	dma.local [hbm:s3], $0xF7A  }
0x26: {  	[smem:$0x3F96] =	sst s1;
	(tag) =	ssettag s2;
	_ =	strace s9  }
0x27: {  	s1 =	sld [smem:$0x3FA6]  }
0x28: {  	s2 =	sld [smem:$0x3FA7]  }
0x29: {  	s4 =	sld [smem:$0x3FA9]  }
0x2a: {  	p0 =	seq.s32 s5, $0x0;
	s5 =	sld [smem:$0x3FAA]  }
0x2b: {  	s6 =	sld [smem:$0x3FAB]  }
0x2c: {  	s7 =	sld [smem:$0x3FAC]  }
0x2d: {  	s3 =	simm.s32 $0x108;
	s8 =	sld [smem:$0x3FAD]  }
0x2e: {  	s3 =	simm.s32 @!p0 $0x1082;
	s9 =	sld [smem:$0x3FAE]  }
0x2f: {  	lr =	sadd.s32 s0, s3;
	s0 =	sld [smem:$0x3FA5]  }
0x30: {  	s3 =	sld [smem:$0x3FA8]  }
0x31: {  	[smem:$0x3FB1] =	sst s10  }
0x32: {  	s10 =	sld [smem:$0x3FAF];
	_ =	sdelay $0x3  }
0x33: {  	p0 =	seq.s32 s10, $0x1;
	s10 =	sld [smem:$0x3FB1];
	_ =	sdelay $0x3  }
0x34: {  	[smem:$0x3FB1] =	sst s10  }
0x35: {  	s10 =	sld [smem:$0x3FB0];
	_ =	sdelay $0x3  }
0x36: {  	p1 =	seq.s32 s10, $0x1;
	s10 =	sld [smem:$0x3FB1];
	_ =	sdelay $0x3  }
0x37: {  	[smem:$0x3FB1] =	sst s10  }
0x38: {  	s10 =	sld [smem:$0x3FB2]  }
0x39: {  	_ = 	snop;
	(pc) =	sbr.ind lr, $3  }
0x3a: {  	_ = 	snop  }
0x3b: {  	_ = 	snop  }
0x3c: {  	p2 =	seq.s32 s10, $0x1;
	s10 =	sld [smem:$0x3FB1]  }
0x3d: {  	_ =	shalt  }
0x3e: {  	_ =	shalt  }
0x3f: {  	_ =	shalt  }
0x40: {  	_ =	shalt  }
0x41: {  	_ =	shalt  }
0x42: {  	_ =	shalt  }
0x43: {  	_ =	shalt  }
0x44: {  	_ =	shalt  }
0x45: {  	_ =	shalt  }
0x46: {  	_ =	shalt  }
0x47: {  	_ =	shalt  }
0x48: {  	_ =	shalt  }
0x49: {  	_ =	shalt  }
0x4a: {  	_ =	shalt  }
0x4b: {  	_ =	shalt  }
0x4c: {  	_ =	shalt  }
0x4d: {  	_ =	shalt  }
0x4e: {  	_ =	shalt  }
0x4f: {  	_ =	shalt  }
0x50: {  	_ =	shalt  }
0x51: {  	_ =	shalt  }
0x52: {  	_ =	shalt  }
0x53: {  	_ =	shalt  }
0x54: {  	_ =	shalt  }
0x55: {  	_ =	shalt  }
0x56: {  	_ =	shalt  }
0x57: {  	_ =	shalt  }
0x58: {  	_ =	shalt  }
0x59: {  	_ =	shalt  }
0x5a: {  	_ =	shalt  }
0x5b: {  	_ =	shalt  }
0x5c: {  	_ =	shalt  }
0x5d: {  	_ =	shalt  }
0x5e: {  	_ =	shalt  }
0x5f: {  	_ =	shalt  }
0x60: {  	_ =	shalt  }
0x61: {  	_ =	shalt  }
0x62: {  	_ =	shalt  }
0x63: {  	_ =	shalt  }
0x64: {  	_ =	shalt  }
0x65: {  	_ =	shalt  }
0x66: {  	_ =	shalt  }
0x67: {  	_ =	shalt  }
0x68: {  	_ =	shalt  }
0x69: {  	_ =	shalt  }
0x6a: {  	_ =	shalt  }
0x6b: {  	_ =	shalt  }
0x6c: {  	_ =	shalt  }
0x6d: {  	_ =	shalt  }
0x6e: {  	_ =	shalt  }
0x6f: {  	_ =	shalt  }
0x70: {  	_ =	shalt  }
0x71: {  	_ =	shalt  }
0x72: {  	_ =	shalt  }
0x73: {  	_ =	shalt  }
0x74: {  	_ =	shalt  }
0x75: {  	_ =	shalt  }
0x76: {  	_ =	shalt  }
0x77: {  	_ =	shalt  }
0x78: {  	_ =	shalt  }
0x79: {  	_ =	shalt  }
0x7a: {  	_ =	shalt  }
0x7b: {  	_ =	shalt  }
0x7c: {  	_ =	shalt  }
0x7d: {  	_ =	shalt  }
0x7e: {  	_ =	shalt  }
0x7f: {  	_ =	shalt  }
0x80: {  	_ =	shalt  }
0x81: {  	_ =	shalt  }
0x82: {  	_ =	shalt  }
0x83: {  	_ =	shalt  }
0x84: {  	_ =	shalt  }
0x85: {  	_ =	shalt  }
0x86: {  	_ =	shalt  }
0x87: {  	_ =	shalt  }
.Lfunc_end0:
.L_simem_size_0:
called_computation.1_lowered:
.L_overlay_start_0:
0x88: {  	s2 =	sld [smem:$0x3FD9]  }
0x89: {  	s3 =	sld [smem:$0x3FFE];
	_ =	sdelay $0x1  }
0x8a: {  	s1 =	srdreg.scid  }
0x8b: {  	s0 =	sand.u32 $0x1, s1  }
0x8c: {  	s14 =	sshll.u32 s0, $0xA;
	s2 =	sadd.s32 s3, s2  }
0x8d: {  	s2 =	sadd.s32 s2, s14  }
0x8e: {  	[smem:$0x3FBD] =	sst s2  }
0x8f: {  	_ = 	snop  }
0x90: {  	s2 =	sld [smem:$0x3FD0];
	_ =	sdelay $0x2  }
0x91: {  	s15 =	simm.s32 $0xA;
	s4 =	simm.s32 $0x10  }
0x92: {  	[smem:s4], [sflag:s15] =	dma.local [hbm:s2], $0x1  }
0x93: {  	_ =	swait.eq [sflag:s15], $0x1  }
0x94: {  	[sflag:s15] =	ssyncset.done $0x0  }
0x95: {  	s16 =	sld [smem:$0x10];
	[sflag:s15] =	ssyncadd.s32 $0xFFFFFFFF  }
0x96: {  	s17 =	sld [smem:$0x11];
	(tm) =	ssettm $0x1  }
0x97: {  	s18 =	sld [smem:$0x3FFB];
	_ =	sdelay $0x3  }
0x98: {  	_ =	strace s18  }
0x99: {  	s4 =	sld [smem:$0x3FFC];
	_ =	sdelay $0x3  }
0x9a: {  	_ =	strace s4  }
0x9b: {  	s4 =	sld [smem:$0x3FFD];
	_ =	sdelay $0x3  }
0x9c: {  	_ =	strace s4  }
0x9d: {  	_ =	strace $0x8FFFFFFF  }
0x9e: {  	s19 =	sld [smem:$0x3FDB];
	_ =	sdelay $0x1  }
0x9f: {  	s5 =	simm.s32 $_scs_section_size  }
0xa0: {  	s6 =	simm.s32 $_size__tile_overlayer_lowered;
	s7 =	simm.s32 $_tile_overlayer_lowered  }
0xa1: {  	s22 =	simm.s32 $0x1BFF;
	s21 =	sshll.u32 s7, $0x1;
	s4 =	sadd.s32 s5, s19  }
0xa2: {  	s8 =	simm.s32 $0x0;
	s20 =	sshll.u32 s6, $0x1;
	s6 =	sadd.s32 s21, s4  }
0xa3: {  	[timem:s8], [sflag:s22] =	dma.local [hbm:s6], s20  }
0xa4: {  	_ =	swait.ge [sflag:s22], s20  }
0xa5: {  	s5 =	ssub.s32 $0x0, s20;
	[sflag:s22] =	ssyncset.done $0x0  }
0xa6: {  	[sflag:s22] =	ssyncadd.s32 s5;
	_ =	sdelay $0x1  }
0xa7: {  	s23 =	simm.s32 $0x1B8B  }
0xa8: {  	_ =	swait.ge [sflag:s23], $0x1  }
0xa9: {  	[sflag:s23] =	ssyncset.done $0x0  }
0xaa: {  	s25 =	simm.s32 $0x1B8E;
	s24 =	sld [smem:$0x3FFE];
	[sflag:s23] =	ssyncadd.s32 $0xFFFFFFFF  }
0xab: {  	s26 =	simm.s32 $execute0_lowered;
	[smem:$0x3FD2] =	sst s25  }
0xac: {  	s6 =	sshll.u32 s26, $0x1;
	_ =	strace $0x80000049;
	[dreg:$0x1] =	wrdreg $0xFFFFFFFF  }
0xad: {  	s28 =	simm.s32 $_size_execute0_lowered;
	s4 =	sadd.s32 s4, s6;
	[dreg:$0x0] =	wrdreg $0x0  }
0xae: {  	s6 =	sshll.u32 s28, $0x1;
	[dreg:$0x2] =	wrdreg s4  }
0xaf: {  	[dreg:$0x3] =	wrdreg s6  }
0xb0: {  	[dreg:$0x4] =	wrdreg $0xC0  }
0xb1: {  	_ =	task [dreg:s8], $0x5FFFF  }
0xb2: {  	[dreg:$0x1] =	wrdreg $0xFFFFFFFF  }
0xb3: {  	[dreg:$0x0] =	wrdreg $0x60  }
0xb4: {  	[dreg:$0x2] =	wrdreg s24  }
0xb5: {  	[dreg:$0x3] =	wrdreg s17  }
0xb6: {  	[dreg:$0x4] =	wrdreg s16  }
0xb7: {  	[dreg:$0x5] =	wrdreg $0x0  }
0xb8: {  	[dreg:$0x6] =	wrdreg $0x9  }
0xb9: {  	_ =	task.clear_ibuf [dreg:s8], $0x7FFFF;
	_ =	strace $0x90000049  }
0xba: {  	s29 =	simm.s32 $0x9;
	_ =	strace $0x8000004B  }
0xbb: {  	_ =	swait.ge [sflag:s29], $0x1  }
0xbc: {  	[sflag:s29] =	ssyncadd.s32 $0xFFFFFFFF  }
0xbd: {  	_ =	strace $0x9000004B  }
0xbe: {  	_ =	sfence  }
0xbf: {  	s30 =	sld [smem:$0x0];
	_ =	sdelay $0x2  }
0xc0: {  	s31 =	sshll.u32 s1, $0xD;
	s1 =	sshrl.u32 s1, $0x2  }
0xc1: {  	s3 =	sand.u32 $0x4000, s31;
	s1 =	sadd.s32 s1, s30  }
0xc2: {  	s0 =	sor.u32 s3, s0;
	s1 =	sshll.u32 s1, $0x11  }
0xc3: {  	s0 =	sor.u32 s1, s0  }
0xc4: {  	s0 =	sadd.s32 $0x8F2B, s0  }
0xc5: {  	[sflag:s0] =	ssyncadd.remote.s32 $0x1  }
0xc6: {  	_ =	sfence.sel $0xFFFF  }
0xc7: {  	[dreg:$0x0] =	wrdreg $0xFFFFFFFF;
	(pc) =	sbr.abs _section_cstart, $3  }
0xc8: {  	[dreg:$0x1] =	wrdreg $0xFFFFFFFF  }
0xc9: {  	_ =	task.clear_ibuf [dreg:s8], $0x2FFFF;
	_ =	strace $0x9FFFFFFF  }
0xca: {  	(tm) =	ssettm $0x7FFFFFFF  }
0xcb: {  	_ =	shalt  }
tec
execute0_lowered:
.L_overlay_start_1:
0x0: {  	(tag) =	ssettag $0x1  }
0x1: {  	s6 =	rddreg [dreg:$0x0]  }
0x2: {  	s10 =	rddreg [dreg:$0x1]  }
0x3: {  	s8 =	rddreg [dreg:$0x2]  }
0x4: {  	s2 =	rddreg [dreg:$0x3]  }
0x5: {  	s0 =	rddreg [dreg:$0x4]  }
0x6: {  	s4 =	srdreg.scid;
	s1 =	stileid.u32;
	s3 =	simm.s32 $0x0  }
0x7: {  	s15 =	simm.s32 $0x80;
	s16 =	simm.s32 $0x13D00;
	s5 =	smul.u32 $0x2780, s1  }
0x8: {  	s17 =	simm.s32 $0x1;
	s18 =	simm.s32 $0x0;
	s12 =	smul.u32 $0x4F000, s1  }
0x9: {  	s7 =	sand.u32 $0x1, s4;
	[smem:$0x7FF] =	sst s3;
	s14 =	smul.u32 $0x4F0, s1  }
0xa: {  	s4 =	sadd.s32 $0x53800, s6;
	s30 =	sshll.u32 s1, $0x6;
	s9 =	smul.u32 $0x27800, s7  }
0xb: {  	_ =	strace $0x8000004A;
	s11 =	ssub.s32 $0x2, s7;
	s29 =	smul.u32 $0x4F00, s7  }
0xc: {  	s26 =	sshrl.u32 s11, $0x1;
	s28 =	sshrl.u32 s12, $0x2;
	s12 =	simm.s32 $0x2  }
0xd: {  	s9 =	sadd.s32 s5, s9;
	s5 =	sadd.s32 $0x2E00, s6;
	s11 =	ssub.s32 s11, s26  }
0xe: {  	s13 =	sadd.s32 s28, s2;
	s31 =	sadd.s32 s29, s8;
	s10 =	sadd.s32 s29, s10  }
0xf: {  	s9 =	sadd.s32 s9, s6;
	s6 =	sor.u32 $0x1C02, s30;
	s8 =	smax.u32 s11, $0x1  }
0x10: {  	s10 =	sadd.s32 s14, s10;
	s11 =	sshrl.u32 s13, $0x3;
	s13 =	simm.s32 $0x13C00  }
0x11: {  	s7 =	sadd.s32 $0x7AA00, s9;
	s9 =	sadd.s32 s14, s31;
	s14 =	simm.s32 $0x13C80  }
.LBB2_1:
0x12: {  	[spmem:s11], [sflag:s6] =	dma.local [hbm:s5], $0x2780  }
0x13: {  	_ =	swait.ge [sflag:s12], $0x2780  }
0x14: {  	[sflag:s12] =	ssyncset.done $0x0  }
0x15: {  	[sflag:s12] =	ssyncadd.s32 $0xFFFFD880  }
0x16: {  	s19 =	sadd.s32 $0x0, s10;
	[bflag:$0x0] =	sbarrier.arrive $0xFFFF  }
0x17: {  	[tilespmem:s13], [sflag:$0x2] =	stream.linear.gather [hbm4b:s19+s3], $0x80, $0x38;
	[tilespmem:$0x17D00] =	vst v63  }
0x18: {  	_ =	swait.ge [sflag:s12], $0x80  }
0x19: {  	[sflag:s12] =	ssyncset.done $0x0  }
0x1a: {  	s31 =	sadd.s32 $0x0, s9;
	[sflag:s12] =	ssyncadd.s32 $0xFFFFFF80  }
0x1b: {  	[tilespmem:s14], [sflag:$0x2] =	stream.linear.gather [hbm4b:s31+s3], $0x80, $0x38;
	[tilespmem:$0x17D00] =	vst v63  }
0x1c: {  	_ =	swait.ge [sflag:s12], $0x80  }
0x1d: {  	[sflag:s12] =	ssyncset.done $0x0  }
0x1e: {  	[sflag:s12] =	ssyncadd.s32 $0xFFFFFF80  }
0x1f: {  	[tilespmem:s16], [sflag:$0x1] =	stream.indirect.gather [hbm4b:s4+s15], $0x80, s13, s15, $0xb8;
	[tilespmem:$0x17D00] =	vst v63  }
0x20: {  	_ =	swait.ge [sflag:s17], $0x4000  }
0x21: {  	[sflag:s17] =	ssyncset.done $0x0  }
0x22: {  	[sflag:s17] =	ssyncadd.s32 $0xFFFFC000  }
0x23: {  	[spmem:s2] =	stream.indirect.scatter.add.f32 [tilespmem:s16], [sflag:$0x2], $0x80, s14, s15, $0xb8;
	[tilespmem:$0x17D00] =	vst v63  }
0x24: {  	_ =	swait.ge [sflag:s12], $0x4000  }
0x25: {  	s20 =	simm.s32 $0x20;
	s19 =	simm.s32 $0x10;
	[sflag:s12] =	ssyncset.done $0x0  }
.LBB2_2:
0x26: {  	s21 =	sadd.s32 s19, s10  }
0x27: {  	[sflag:s12] =	ssyncadd.s32 $0xFFFFC000;
	s22 =	smov.u32 s20;
	s23 =	sadd.s32 $0x10, s20  }
0x28: {  	[tilespmem:s13], [sflag:$0x2] =	stream.linear.gather [hbm4b:s21+s3], $0x80, $0x38;
	[tilespmem:$0x17D00] =	vst v63  }
0x29: {  	p0 =	sne.s32 s20, $0x4E0;
	_ =	swait.ge [sflag:s12], $0x80  }
0x2a: {  	[sflag:s12] =	ssyncset.done $0x0  }
0x2b: {  	s20 =	sadd.s32 s19, s9;
	s19 =	smov.u32 s22;
	[sflag:s12] =	ssyncadd.s32 $0xFFFFFF80  }
0x2c: {  	[tilespmem:s14], [sflag:$0x2] =	stream.linear.gather [hbm4b:s20+s3], $0x80, $0x38;
	[tilespmem:$0x17D00] =	vst v63  }
0x2d: {  	_ =	swait.ge [sflag:s12], $0x80  }
0x2e: {  	[sflag:s12] =	ssyncset.done $0x0  }
0x2f: {  	[sflag:s12] =	ssyncadd.s32 $0xFFFFFF80  }
0x30: {  	[tilespmem:s16], [sflag:$0x1] =	stream.indirect.gather [hbm4b:s4+s15], $0x80, s13, s15, $0xb8;
	[tilespmem:$0x17D00] =	vst v63  }
0x31: {  	_ =	swait.ge [sflag:s17], $0x4000  }
.Ltmp0:
0x32: {  	[sflag:s17] =	ssyncset.done $0x0;
	(pc) =	sbr.rel @p0 .LBB2_2-.Ltmp0, $4  }
0x33: {  	[sflag:s17] =	ssyncadd.s32 $0xFFFFC000  }
0x34: {  	[spmem:s2] =	stream.indirect.scatter.add.f32 [tilespmem:s16], [sflag:$0x2], $0x80, s14, s15, $0xb8;
	[tilespmem:$0x17D00] =	vst v63  }
0x35: {  	_ =	swait.ge [sflag:s12], $0x4000  }
0x36: {  	s20 =	smov.u32 s23;
	[sflag:s12] =	ssyncset.done $0x0  }
0x37: {  	s20 =	sadd.s32 s19, s10;
	[sflag:s12] =	ssyncadd.s32 $0xFFFFC000  }
0x38: {  	[tilespmem:s13], [sflag:$0x2] =	stream.linear.gather [hbm4b:s20+s3], $0x80, $0x38;
	[tilespmem:$0x17D00] =	vst v63  }
0x39: {  	_ =	swait.ge [sflag:s12], $0x80  }
0x3a: {  	[sflag:s12] =	ssyncset.done $0x0  }
0x3b: {  	s31 =	sadd.s32 s19, s9;
	[sflag:s12] =	ssyncadd.s32 $0xFFFFFF80  }
0x3c: {  	[tilespmem:s14], [sflag:$0x2] =	stream.linear.gather [hbm4b:s31+s3], $0x80, $0x38;
	[tilespmem:$0x17D00] =	vst v63  }
0x3d: {  	_ =	swait.ge [sflag:s12], $0x80  }
0x3e: {  	[sflag:s12] =	ssyncset.done $0x0  }
0x3f: {  	[sflag:s12] =	ssyncadd.s32 $0xFFFFFF80  }
0x40: {  	[tilespmem:s16], [sflag:$0x1] =	stream.indirect.gather [hbm4b:s4+s15], $0x80, s13, s15, $0xb8;
	[tilespmem:$0x17D00] =	vst v63  }
0x41: {  	_ =	swait.ge [sflag:s17], $0x4000  }
0x42: {  	[sflag:s17] =	ssyncset.done $0x0  }
0x43: {  	[sflag:s17] =	ssyncadd.s32 $0xFFFFC000  }
0x44: {  	[spmem:s2] =	stream.indirect.scatter.add.f32 [tilespmem:s16], [sflag:$0x2], $0x80, s14, s15, $0xb8;
	[tilespmem:$0x17D00] =	vst v63  }
0x45: {  	_ =	swait.ge [sflag:s12], $0x4000  }
0x46: {  	[sflag:s12] =	ssyncset.done $0x0  }
0x47: {  	s18 =	sadd.s32 $0x1, s18;
	[sflag:s12] =	ssyncadd.s32 $0xFFFFC000  }
0x48: {  	p0 =	sne.s32 s18, s8;
	[bflag:$0x0] =	sbarrier.arrive $0xFFFF  }
0x49: {  	[hbm:s7], [sflag:s6] =	dma.local [spmem:s11], $0x2780  }
.Ltmp1:
0x4a: {  	_ =	swait.ge [sflag:s12], $0x2780;
	(pc) =	sbr.rel @p0 .LBB2_1-.Ltmp1, $3  }
0x4b: {  	[sflag:s12] =	ssyncset.done $0x0  }
0x4c: {  	[sflag:s12] =	ssyncadd.s32 $0xFFFFD880  }
0x4d: {  	[bflag:$0x0] =	sbarrier.arrive $0xFFFF;
	_ =	sdelay $0x1  }
0x4e: {  	_ =	sfence.sel $0x180000  }
0x4f: {  	[bflag:$0x0] =	sbarrier.arrive $0xFFFF  }
0x50: {  	p0 =	sne.s32 s1, $0x0;
	_ =	strace $0x9000004A  }
0x51: {  	s0 =	sadd.s32 @!p0 $0x100000, s0;
	[bflag:$0x2] =	sbarrier.arrive $0xFFFF  }
0x52: {  	[sflag:s0] =	ssyncadd.tile.s32 @!p0 $0x1;
	_ =	shalt  }
.Lfunc_end2:
_tile_overlayer_lowered:
.L_overlay_start_2:
0x53: {  	(tag) =	ssettag $0x2  }
0x54: {  	s0 =	rddreg [dreg:$0x0];
	s2 =	stileid.u32  }
0x55: {  	s1 =	rddreg [dreg:$0x1];
	p0 =	sne.s32 s2, $0x0  }
0x56: {  	s3 =	rddreg [dreg:$0x2];
	[bflag:$0x3] =	sbarrier.arrive $0xFFFF;
	s2 =	simm.s32 @!p0 $0x1C02  }
0x57: {  	[timem:s3], [sflag:s2] =	dma.local @!p0 [hbm:s0], s1  }
0x58: {  	s0 =	simm.s32 @!p0 $0x2  }
0x59: {  	_ =	swait.ge @!p0 [sflag:s0], s1  }
0x5a: {  	s1 =	ssub.s32 @!p0 $0x0, s1;
	[sflag:s0] =	ssyncset.done @!p0 $0x0  }
0x5b: {  	[sflag:s0] =	ssyncadd.s32 @!p0 s1  }
0x5c: {  	[bflag:$0x3] =	sbarrier.arrive $0xFFFF  }
0x5d: {  	_ =	shalt  }

</sc_bundles>
